<compile_context>
chip_gen: v7x
topology: tpu7x:2x2x1
jax: 0.10.2.dev20260603
libtpu: 0.0.44.dev20260713+nightly
codegen_flags: <defaults>
</compile_context>

<pallas_src>
import functools

import jax
import jax.numpy as jnp
from jax import lax
from jax.experimental import pallas as pl
from jax.experimental.pallas import tpu as pltpu
from jax.experimental.pallas import tpu_sc as plsc

PAD_IDX = 0
OPAD = 8
VT = 8192
NC, NS = 2, 16
NW = NC * NS
NBUF = 4
LANE = 16


def _project_body(w_ref, e_ref, out_ref):
    out = lax.dot_general(
        w_ref[...], e_ref[...], (((1,), (0,)), ((), ())),
        preferred_element_type=jnp.float32,
    )
    gids = lax.broadcasted_iota(jnp.int32, out.shape, 1) + pl.program_id(0) * VT
    out_ref[...] = jnp.where(gids == PAD_IDX, 0.0, out)


def _project(w8, emb_t):
    emb, vocab = emb_t.shape
    return pl.pallas_call(
        _project_body,
        grid=(pl.cdiv(vocab, VT),),
        in_specs=[
            pl.BlockSpec((OPAD, emb), lambda i: (0, 0)),
            pl.BlockSpec((emb, VT), lambda i: (0, i)),
        ],
        out_specs=pl.BlockSpec((OPAD, VT), lambda i: (0, i)),
        out_shape=jax.ShapeDtypeStruct((OPAD, vocab), jnp.float32),
    )(w8, emb_t)


def _make_gather_sum(sent_len, batch):
    cpw = batch // NW
    mesh = plsc.VectorSubcoreMesh(
        core_axis_name="c", subcore_axis_name="s",
        num_cores=NC, num_subcores=NS,
    )

    @functools.partial(
        pl.kernel,
        mesh=mesh,
        out_type=jax.ShapeDtypeStruct((2, batch), jnp.float32),
        scratch_types=[
            pltpu.VMEM((sent_len, cpw), jnp.int32),
            [pltpu.VMEM((cpw,), jnp.float32) for _ in range(2)],
            [[pltpu.VMEM((cpw,), jnp.float32) for _ in range(NBUF)]
             for _ in range(2)],
            pltpu.VMEM((2, LANE), jnp.float32),
            [[pltpu.SemaphoreType.DMA for _ in range(NBUF)] for _ in range(2)],
        ],
        compiler_params=pltpu.CompilerParams(use_tc_tiling_on_sc=False),
    )
    def gather_sum(p0_hbm, p1_hbm, sent_hbm, bpl_hbm, out_hbm,
                   idx_v, accs, bufs, bpl_v, sems):
        wid = lax.axis_index("s") * NC + lax.axis_index("c")
        pltpu.sync_copy(sent_hbm.at[wid], idx_v)
        pltpu.sync_copy(bpl_hbm, bpl_v)
        planes = (p0_hbm, p1_hbm)
        for o in range(2):
            bv = bpl_v[o, :]
            for k in range(cpw // LANE):
                accs[o][pl.ds(k * LANE, LANE)] = bv

        def start(t, j):
            row = idx_v.at[t]
            for o in range(2):
                pltpu.async_copy(planes[o].at[row], bufs[o][j], sems[o][j])

        def wait(j):
            for o in range(2):
                pltpu.make_async_copy(planes[o].at[idx_v.at[0]], bufs[o][j],
                                      sems[o][j]).wait()

        for j in range(NBUF - 1):
            start(j, j)

        def chunk(tc, carry):
            for j in range(NBUF):
                t = tc * NBUF + j

                @pl.when(t + NBUF - 1 < sent_len)
                def _():
                    start(t + NBUF - 1, (j + NBUF - 1) % NBUF)

                wait(j)
                for o in range(2):
                    acc, buf = accs[o], bufs[o][j]
                    for k in range(cpw // LANE):
                        sl = pl.ds(k * LANE, LANE)
                        acc[sl] = acc[sl] + buf[sl]
            return carry

        lax.fori_loop(0, sent_len // NBUF, chunk, 0)
        for o in range(2):
            pltpu.sync_copy(accs[o], out_hbm.at[o, pl.ds(wid * cpw, cpw)])

    return gather_sum


def kernel(sentences, embeddings, W, b):
    sent_len, batch = sentences.shape
    emb = embeddings.shape[1]
    w8 = jnp.zeros((OPAD, emb), jnp.float32).at[: W.shape[0]].set(W)
    bpl = jnp.broadcast_to(b[:, None], (2, LANE))
    pt = _project(w8, embeddings.T)
    sent3 = (
        sentences.reshape(sent_len, NW, batch // NW)
        .transpose(1, 0, 2)
    )
    out2 = _make_gather_sum(sent_len, batch)(pt[0], pt[1], sent3, bpl)
    return out2.T

# --- scband reference (transcript-rebuilt; emitter-appended) ---
"""Pipeline reference for scband-cbow-7181185319154 (READ-ONLY COPY).

The authoritative reference and input builder live on the scoring server;
editing this copy changes nothing except your own understanding.
"""

import jax, jax.numpy as jnp
import numpy as np

VOCAB = 1000000
EMB = 300
PAD_IDX = 0
SENT_LEN = 200
BATCH = 4096

def setup_inputs(seed: int = 0):
    key = jax.random.key(seed)
    k1, k2, k3, k4 = jax.random.split(key, 4)
    sentences = jax.random.randint(k1, (SENT_LEN, BATCH), 0, VOCAB, dtype=jnp.int32)
    # xavier normal init for embedding table [VOCAB, EMB]
    std = float(np.sqrt(2.0 / (VOCAB + EMB)))
    embeddings = jax.random.normal(k2, (VOCAB, EMB), dtype=jnp.float32) * std
    # output linear layer: 300 -> 2
    lim = float(np.sqrt(1.0 / EMB))
    W = jax.random.uniform(k3, (2, EMB), minval=-lim, maxval=lim, dtype=jnp.float32)
    b = jax.random.uniform(k4, (2,), minval=-lim, maxval=lim, dtype=jnp.float32)
    return {"sentences": sentences, "embeddings": embeddings, "W": W, "b": b}

def reference(sentences, embeddings, W, b):
    sent_length, batch_size = sentences.shape
    flat = sentences.reshape(-1)
    # gather: index_select over embedding table
    selected = jnp.take(embeddings, flat, axis=0).reshape(sent_length, batch_size, -1)
    padding = (flat == PAD_IDX).astype(jnp.float32).reshape(sent_length, batch_size)
    padded = selected * (1.0 - padding)[:, :, None]
    summed = jnp.sum(padded, axis=0)  # [batch, EMB]
    scores = summed @ W.T + b  # [batch, 2]
    return scores

if __name__ == "__main__":
    import jax
    _d = setup_inputs()
    print(jax.jit(kernel)(*tuple(_d.values())))

</pallas_src>

<mosaic_0001>
#map = affine_map<(d0, d1) -> (0)>
#map1 = affine_map<(d0, d1) -> (0, 0, 0)>
#map2 = affine_map<(d0, d1) -> (0, 0)>
module attributes {stable_mosaic.version = 14 : i64} {
  func.func @gather_sum(%arg0: i32, %arg1: i32, %arg2: memref<1000000xf32, #tpu.memory_space<hbm>>, %arg3: memref<1000000xf32, #tpu.memory_space<hbm>>, %arg4: memref<32x200x128xi32, #tpu.memory_space<hbm>>, %arg5: memref<2x16xf32, #tpu.memory_space<hbm>>, %arg6: memref<2x4096xf32, #tpu.memory_space<hbm>>, %arg7: memref<200x128xi32, #tpu.memory_space<vmem>>, %arg8: memref<128xf32, #tpu.memory_space<vmem>>, %arg9: memref<128xf32, #tpu.memory_space<vmem>>, %arg10: memref<128xf32, #tpu.memory_space<vmem>>, %arg11: memref<128xf32, #tpu.memory_space<vmem>>, %arg12: memref<128xf32, #tpu.memory_space<vmem>>, %arg13: memref<128xf32, #tpu.memory_space<vmem>>, %arg14: memref<128xf32, #tpu.memory_space<vmem>>, %arg15: memref<128xf32, #tpu.memory_space<vmem>>, %arg16: memref<128xf32, #tpu.memory_space<vmem>>, %arg17: memref<128xf32, #tpu.memory_space<vmem>>, %arg18: memref<2x16xf32, #tpu.memory_space<vmem>>, %arg19: memref<!tpu.dma_semaphore, #tpu.memory_space<semaphore_mem>>, %arg20: memref<!tpu.dma_semaphore, #tpu.memory_space<semaphore_mem>>, %arg21: memref<!tpu.dma_semaphore, #tpu.memory_space<semaphore_mem>>, %arg22: memref<!tpu.dma_semaphore, #tpu.memory_space<semaphore_mem>>, %arg23: memref<!tpu.dma_semaphore, #tpu.memory_space<semaphore_mem>>, %arg24: memref<!tpu.dma_semaphore, #tpu.memory_space<semaphore_mem>>, %arg25: memref<!tpu.dma_semaphore, #tpu.memory_space<semaphore_mem>>, %arg26: memref<!tpu.dma_semaphore, #tpu.memory_space<semaphore_mem>>) attributes {dimension_semantics = [#tpu.dimension_semantics<core_parallel>, #tpu.dimension_semantics<subcore_parallel>], iteration_bounds = array<i64: 2, 16>, scalar_prefetch = 0 : i64, scratch_operands = 20 : i64, tpu.core_type = #tpu.core_type<sc_vector_subcore>, window_params = [{transform_indices = #map}, {transform_indices = #map}, {transform_indices = #map1}, {transform_indices = #map2}, {transform_indices = #map2}]} {
    %mul3A = arith.constant 2 : i32
    %mul3A_0 = arith.muli %arg1, %mul3A : i32
    %add3A = arith.addi %mul3A_0, %arg0 : i32
    "tpu.region"() ({
      %run_scoped3A_118 = tpu.sem_alloc : memref<!tpu.dma_semaphore, #tpu.memory_space<semaphore_mem>>
      %dma_start3A_119 = arith.constant 0 : i32
      %dma_start3A_120 = arith.constant 0 : i32
      %dma_start3A_121 = tpu.memref_slice %arg4[%add3A, %dma_start3A_119, %dma_start3A_120] : memref<32x200x128xi32, #tpu.memory_space<hbm>> -> memref<1x200x128xi32, #tpu.memory_space<hbm>>
      %dma_start3A_122 = tpu.memref_squeeze %dma_start3A_121 : memref<1x200x128xi32, #tpu.memory_space<hbm>> -> memref<200x128xi32, #tpu.memory_space<hbm>>
      %dma_start3A_123 = arith.constant 0 : i32
      %dma_start3A_124 = arith.constant 0 : i32
      %dma_start3A_125 = tpu.memref_slice %arg4[%add3A, %dma_start3A_123, %dma_start3A_124] : memref<32x200x128xi32, #tpu.memory_space<hbm>> -> memref<1x200x128xi32, #tpu.memory_space<hbm>>
      %dma_start3A_126 = tpu.memref_squeeze %dma_start3A_125 : memref<1x200x128xi32, #tpu.memory_space<hbm>> -> memref<200x128xi32, #tpu.memory_space<hbm>>
      tpu.enqueue_dma source(%dma_start3A_126 : memref<200x128xi32, #tpu.memory_space<hbm>>) target(%arg7 : memref<200x128xi32, #tpu.memory_space<vmem>>) target_semaphore(%run_scoped3A_118 : memref<!tpu.dma_semaphore, #tpu.memory_space<semaphore_mem>>)
      %dma_wait3A = arith.constant 0 : i32
      %dma_wait3A_127 = arith.constant 0 : i32
      %dma_wait3A_128 = tpu.memref_slice %arg4[%add3A, %dma_wait3A, %dma_wait3A_127] : memref<32x200x128xi32, #tpu.memory_space<hbm>> -> memref<1x200x128xi32, #tpu.memory_space<hbm>>
      %dma_wait3A_129 = tpu.memref_squeeze %dma_wait3A_128 : memref<1x200x128xi32, #tpu.memory_space<hbm>> -> memref<200x128xi32, #tpu.memory_space<hbm>>
      %dma_wait3A_130 = arith.constant 0 : i32
      %dma_wait3A_131 = arith.constant 0 : i32
      %dma_wait3A_132 = tpu.memref_slice %arg4[%add3A, %dma_wait3A_130, %dma_wait3A_131] : memref<32x200x128xi32, #tpu.memory_space<hbm>> -> memref<1x200x128xi32, #tpu.memory_space<hbm>>
      %dma_wait3A_133 = tpu.memref_squeeze %dma_wait3A_132 : memref<1x200x128xi32, #tpu.memory_space<hbm>> -> memref<200x128xi32, #tpu.memory_space<hbm>>
      tpu.wait_dma2 semaphore(%run_scoped3A_118 : memref<!tpu.dma_semaphore, #tpu.memory_space<semaphore_mem>>) src(%dma_wait3A_133 : memref<200x128xi32, #tpu.memory_space<hbm>>) dst(%arg7 : memref<200x128xi32, #tpu.memory_space<vmem>>)
      tpu.yield
    }) : () -> ()
    "tpu.region"() ({
      %run_scoped3A_118 = tpu.sem_alloc : memref<!tpu.dma_semaphore, #tpu.memory_space<semaphore_mem>>
      tpu.enqueue_dma source(%arg5 : memref<2x16xf32, #tpu.memory_space<hbm>>) target(%arg18 : memref<2x16xf32, #tpu.memory_space<vmem>>) target_semaphore(%run_scoped3A_118 : memref<!tpu.dma_semaphore, #tpu.memory_space<semaphore_mem>>)
      tpu.wait_dma2 semaphore(%run_scoped3A_118 : memref<!tpu.dma_semaphore, #tpu.memory_space<semaphore_mem>>) src(%arg5 : memref<2x16xf32, #tpu.memory_space<hbm>>) dst(%arg18 : memref<2x16xf32, #tpu.memory_space<vmem>>)
      tpu.yield
    }) : () -> ()
    %get3A = arith.constant 0 : i32
    %get3A_1 = arith.index_cast %get3A : i32 to index
    %get3A_2 = arith.constant 0 : index
    %get3A_3 = tpu.vector_load %arg18[%get3A_1, %get3A_2] {strides = array<i32>} : memref<2x16xf32, #tpu.memory_space<vmem>>, vector<1x16xf32>,
    %get3A_4 = vector.shape_cast %get3A_3 : vector<1x16xf32> to vector<16xf32>
    %swap3A = arith.constant 0 : index
    %swap3A_5 = tpu.vector_load %arg8[%swap3A] {strides = array<i32>} : memref<128xf32, #tpu.memory_space<vmem>>, vector<16xf32>,
    %swap3A_6 = vector.shape_cast %swap3A_5 : vector<16xf32> to vector<16xf32>
    %swap3A_7 = vector.shape_cast %get3A_4 : vector<16xf32> to vector<16xf32>
    tpu.vector_store %arg8[%swap3A], %swap3A_7 {strides = array<i32>} : memref<128xf32, #tpu.memory_space<vmem>>, vector<16xf32>,
    %swap3A_8 = arith.constant 16 : index
    %swap3A_9 = tpu.vector_load %arg8[%swap3A_8] {strides = array<i32>} : memref<128xf32, #tpu.memory_space<vmem>>, vector<16xf32>,
    %swap3A_10 = vector.shape_cast %swap3A_9 : vector<16xf32> to vector<16xf32>
    %swap3A_11 = vector.shape_cast %get3A_4 : vector<16xf32> to vector<16xf32>
    tpu.vector_store %arg8[%swap3A_8], %swap3A_11 {strides = array<i32>} : memref<128xf32, #tpu.memory_space<vmem>>, vector<16xf32>,
    %swap3A_12 = arith.constant 32 : index
    %swap3A_13 = tpu.vector_load %arg8[%swap3A_12] {strides = array<i32>} : memref<128xf32, #tpu.memory_space<vmem>>, vector<16xf32>,
    %swap3A_14 = vector.shape_cast %swap3A_13 : vector<16xf32> to vector<16xf32>
    %swap3A_15 = vector.shape_cast %get3A_4 : vector<16xf32> to vector<16xf32>
    tpu.vector_store %arg8[%swap3A_12], %swap3A_15 {strides = array<i32>} : memref<128xf32, #tpu.memory_space<vmem>>, vector<16xf32>,
    %swap3A_16 = arith.constant 48 : index
    %swap3A_17 = tpu.vector_load %arg8[%swap3A_16] {strides = array<i32>} : memref<128xf32, #tpu.memory_space<vmem>>, vector<16xf32>,
    %swap3A_18 = vector.shape_cast %swap3A_17 : vector<16xf32> to vector<16xf32>
    %swap3A_19 = vector.shape_cast %get3A_4 : vector<16xf32> to vector<16xf32>
    tpu.vector_store %arg8[%swap3A_16], %swap3A_19 {strides = array<i32>} : memref<128xf32, #tpu.memory_space<vmem>>, vector<16xf32>,
    %swap3A_20 = arith.constant 64 : index
    %swap3A_21 = tpu.vector_load %arg8[%swap3A_20] {strides = array<i32>} : memref<128xf32, #tpu.memory_space<vmem>>, vector<16xf32>,
    %swap3A_22 = vector.shape_cast %swap3A_21 : vector<16xf32> to vector<16xf32>
    %swap3A_23 = vector.shape_cast %get3A_4 : vector<16xf32> to vector<16xf32>
    tpu.vector_store %arg8[%swap3A_20], %swap3A_23 {strides = array<i32>} : memref<128xf32, #tpu.memory_space<vmem>>, vector<16xf32>,
    %swap3A_24 = arith.constant 80 : index
    %swap3A_25 = tpu.vector_load %arg8[%swap3A_24] {strides = array<i32>} : memref<128xf32, #tpu.memory_space<vmem>>, vector<16xf32>,
    %swap3A_26 = vector.shape_cast %swap3A_25 : vector<16xf32> to vector<16xf32>
    %swap3A_27 = vector.shape_cast %get3A_4 : vector<16xf32> to vector<16xf32>
    tpu.vector_store %arg8[%swap3A_24], %swap3A_27 {strides = array<i32>} : memref<128xf32, #tpu.memory_space<vmem>>, vector<16xf32>,
    %swap3A_28 = arith.constant 96 : index
    %swap3A_29 = tpu.vector_load %arg8[%swap3A_28] {strides = array<i32>} : memref<128xf32, #tpu.memory_space<vmem>>, vector<16xf32>,
    %swap3A_30 = vector.shape_cast %swap3A_29 : vector<16xf32> to vector<16xf32>
    %swap3A_31 = vector.shape_cast %get3A_4 : vector<16xf32> to vector<16xf32>
    tpu.vector_store %arg8[%swap3A_28], %swap3A_31 {strides = array<i32>} : memref<128xf32, #tpu.memory_space<vmem>>, vector<16xf32>,
    %swap3A_32 = arith.constant 112 : index
    %swap3A_33 = tpu.vector_load %arg8[%swap3A_32] {strides = array<i32>} : memref<128xf32, #tpu.memory_space<vmem>>, vector<16xf32>,
    %swap3A_34 = vector.shape_cast %swap3A_33 : vector<16xf32> to vector<16xf32>
    %swap3A_35 = vector.shape_cast %get3A_4 : vector<16xf32> to vector<16xf32>
    tpu.vector_store %arg8[%swap3A_32], %swap3A_35 {strides = array<i32>} : memref<128xf32, #tpu.memory_space<vmem>>, vector<16xf32>,
    %get3A_36 = arith.constant 1 : i32
    %get3A_37 = arith.index_cast %get3A_36 : i32 to index
    %get3A_38 = arith.constant 0 : index
    %get3A_39 = tpu.vector_load %arg18[%get3A_37, %get3A_38] {strides = array<i32>} : memref<2x16xf32, #tpu.memory_space<vmem>>, vector<1x16xf32>,
    %get3A_40 = vector.shape_cast %get3A_39 : vector<1x16xf32> to vector<16xf32>
    %swap3A_41 = arith.constant 0 : index
    %swap3A_42 = tpu.vector_load %arg9[%swap3A_41] {strides = array<i32>} : memref<128xf32, #tpu.memory_space<vmem>>, vector<16xf32>,
    %swap3A_43 = vector.shape_cast %swap3A_42 : vector<16xf32> to vector<16xf32>
    %swap3A_44 = vector.shape_cast %get3A_40 : vector<16xf32> to vector<16xf32>
    tpu.vector_store %arg9[%swap3A_41], %swap3A_44 {strides = array<i32>} : memref<128xf32, #tpu.memory_space<vmem>>, vector<16xf32>,
    %swap3A_45 = arith.constant 16 : index
    %swap3A_46 = tpu.vector_load %arg9[%swap3A_45] {strides = array<i32>} : memref<128xf32, #tpu.memory_space<vmem>>, vector<16xf32>,
    %swap3A_47 = vector.shape_cast %swap3A_46 : vector<16xf32> to vector<16xf32>
    %swap3A_48 = vector.shape_cast %get3A_40 : vector<16xf32> to vector<16xf32>
    tpu.vector_store %arg9[%swap3A_45], %swap3A_48 {strides = array<i32>} : memref<128xf32, #tpu.memory_space<vmem>>, vector<16xf32>,
    %swap3A_49 = arith.constant 32 : index
    %swap3A_50 = tpu.vector_load %arg9[%swap3A_49] {strides = array<i32>} : memref<128xf32, #tpu.memory_space<vmem>>, vector<16xf32>,
    %swap3A_51 = vector.shape_cast %swap3A_50 : vector<16xf32> to vector<16xf32>
    %swap3A_52 = vector.shape_cast %get3A_40 : vector<16xf32> to vector<16xf32>
    tpu.vector_store %arg9[%swap3A_49], %swap3A_52 {strides = array<i32>} : memref<128xf32, #tpu.memory_space<vmem>>, vector<16xf32>,
    %swap3A_53 = arith.constant 48 : index
    %swap3A_54 = tpu.vector_load %arg9[%swap3A_53] {strides = array<i32>} : memref<128xf32, #tpu.memory_space<vmem>>, vector<16xf32>,
    %swap3A_55 = vector.shape_cast %swap3A_54 : vector<16xf32> to vector<16xf32>
    %swap3A_56 = vector.shape_cast %get3A_40 : vector<16xf32> to vector<16xf32>
    tpu.vector_store %arg9[%swap3A_53], %swap3A_56 {strides = array<i32>} : memref<128xf32, #tpu.memory_space<vmem>>, vector<16xf32>,
    %swap3A_57 = arith.constant 64 : index
    %swap3A_58 = tpu.vector_load %arg9[%swap3A_57] {strides = array<i32>} : memref<128xf32, #tpu.memory_space<vmem>>, vector<16xf32>,
    %swap3A_59 = vector.shape_cast %swap3A_58 : vector<16xf32> to vector<16xf32>
    %swap3A_60 = vector.shape_cast %get3A_40 : vector<16xf32> to vector<16xf32>
    tpu.vector_store %arg9[%swap3A_57], %swap3A_60 {strides = array<i32>} : memref<128xf32, #tpu.memory_space<vmem>>, vector<16xf32>,
    %swap3A_61 = arith.constant 80 : index
    %swap3A_62 = tpu.vector_load %arg9[%swap3A_61] {strides = array<i32>} : memref<128xf32, #tpu.memory_space<vmem>>, vector<16xf32>,
    %swap3A_63 = vector.shape_cast %swap3A_62 : vector<16xf32> to vector<16xf32>
    %swap3A_64 = vector.shape_cast %get3A_40 : vector<16xf32> to vector<16xf32>
    tpu.vector_store %arg9[%swap3A_61], %swap3A_64 {strides = array<i32>} : memref<128xf32, #tpu.memory_space<vmem>>, vector<16xf32>,
    %swap3A_65 = arith.constant 96 : index
    %swap3A_66 = tpu.vector_load %arg9[%swap3A_65] {strides = array<i32>} : memref<128xf32, #tpu.memory_space<vmem>>, vector<16xf32>,
    %swap3A_67 = vector.shape_cast %swap3A_66 : vector<16xf32> to vector<16xf32>
    %swap3A_68 = vector.shape_cast %get3A_40 : vector<16xf32> to vector<16xf32>
    tpu.vector_store %arg9[%swap3A_65], %swap3A_68 {strides = array<i32>} : memref<128xf32, #tpu.memory_space<vmem>>, vector<16xf32>,
    %swap3A_69 = arith.constant 112 : index
    %swap3A_70 = tpu.vector_load %arg9[%swap3A_69] {strides = array<i32>} : memref<128xf32, #tpu.memory_space<vmem>>, vector<16xf32>,
    %swap3A_71 = vector.shape_cast %swap3A_70 : vector<16xf32> to vector<16xf32>
    %swap3A_72 = vector.shape_cast %get3A_40 : vector<16xf32> to vector<16xf32>
    tpu.vector_store %arg9[%swap3A_69], %swap3A_72 {strides = array<i32>} : memref<128xf32, #tpu.memory_space<vmem>>, vector<16xf32>,
    %dma_start3A = arith.constant 0 : i32
    %dma_start3A_73 = arith.constant 0 : i32
    %dma_start3A_74 = tpu.memref_slice %arg7[%dma_start3A, %dma_start3A_73] : memref<200x128xi32, #tpu.memory_space<vmem>> -> memref<1x128xi32, #tpu.memory_space<vmem>>
    %dma_start3A_75 = tpu.memref_squeeze %dma_start3A_74 : memref<1x128xi32, #tpu.memory_space<vmem>> -> memref<128xi32, #tpu.memory_space<vmem>>
    %dma_start3A_76 = arith.constant 0 : i32
    %dma_start3A_77 = tpu.memref_slice %arg2[%dma_start3A_76] : memref<1000000xf32, #tpu.memory_space<hbm>> -> memref<1000000xf32, #tpu.memory_space<hbm>>
    tpu.enqueue_indirect_dma source(%dma_start3A_77 : memref<1000000xf32, #tpu.memory_space<hbm>>) target(%arg10 : memref<128xf32, #tpu.memory_space<vmem>>) offsets(%dma_start3A_75 : memref<128xi32, #tpu.memory_space<vmem>>) semaphore(%arg19 : memref<!tpu.dma_semaphore, #tpu.memory_space<semaphore_mem>>)
    %dma_start3A_78 = arith.constant 0 : i32
    %dma_start3A_79 = arith.constant 0 : i32
    %dma_start3A_80 = tpu.memref_slice %arg7[%dma_start3A_78, %dma_start3A_79] : memref<200x128xi32, #tpu.memory_space<vmem>> -> memref<1x128xi32, #tpu.memory_space<vmem>>
    %dma_start3A_81 = tpu.memref_squeeze %dma_start3A_80 : memref<1x128xi32, #tpu.memory_space<vmem>> -> memref<128xi32, #tpu.memory_space<vmem>>
    %dma_start3A_82 = arith.constant 0 : i32
    %dma_start3A_83 = tpu.memref_slice %arg3[%dma_start3A_82] : memref<1000000xf32, #tpu.memory_space<hbm>> -> memref<1000000xf32, #tpu.memory_space<hbm>>
    tpu.enqueue_indirect_dma source(%dma_start3A_83 : memref<1000000xf32, #tpu.memory_space<hbm>>) target(%arg14 : memref<128xf32, #tpu.memory_space<vmem>>) offsets(%dma_start3A_81 : memref<128xi32, #tpu.memory_space<vmem>>) semaphore(%arg23 : memref<!tpu.dma_semaphore, #tpu.memory_space<semaphore_mem>>)
    %dma_start3A_84 = arith.constant 1 : i32
    %dma_start3A_85 = arith.constant 0 : i32
    %dma_start3A_86 = tpu.memref_slice %arg7[%dma_start3A_84, %dma_start3A_85] : memref<200x128xi32, #tpu.memory_space<vmem>> -> memref<1x128xi32, #tpu.memory_space<vmem>>
    %dma_start3A_87 = tpu.memref_squeeze %dma_start3A_86 : memref<1x128xi32, #tpu.memory_space<vmem>> -> memref<128xi32, #tpu.memory_space<vmem>>
    %dma_start3A_88 = arith.constant 0 : i32
    %dma_start3A_89 = tpu.memref_slice %arg2[%dma_start3A_88] : memref<1000000xf32, #tpu.memory_space<hbm>> -> memref<1000000xf32, #tpu.memory_space<hbm>>
    tpu.enqueue_indirect_dma source(%dma_start3A_89 : memref<1000000xf32, #tpu.memory_space<hbm>>) target(%arg11 : memref<128xf32, #tpu.memory_space<vmem>>) offsets(%dma_start3A_87 : memref<128xi32, #tpu.memory_space<vmem>>) semaphore(%arg20 : memref<!tpu.dma_semaphore, #tpu.memory_space<semaphore_mem>>)
    %dma_start3A_90 = arith.constant 1 : i32
    %dma_start3A_91 = arith.constant 0 : i32
    %dma_start3A_92 = tpu.memref_slice %arg7[%dma_start3A_90, %dma_start3A_91] : memref<200x128xi32, #tpu.memory_space<vmem>> -> memref<1x128xi32, #tpu.memory_space<vmem>>
    %dma_start3A_93 = tpu.memref_squeeze %dma_start3A_92 : memref<1x128xi32, #tpu.memory_space<vmem>> -> memref<128xi32, #tpu.memory_space<vmem>>
    %dma_start3A_94 = arith.constant 0 : i32
    %dma_start3A_95 = tpu.memref_slice %arg3[%dma_start3A_94] : memref<1000000xf32, #tpu.memory_space<hbm>> -> memref<1000000xf32, #tpu.memory_space<hbm>>
    tpu.enqueue_indirect_dma source(%dma_start3A_95 : memref<1000000xf32, #tpu.memory_space<hbm>>) target(%arg15 : memref<128xf32, #tpu.memory_space<vmem>>) offsets(%dma_start3A_93 : memref<128xi32, #tpu.memory_space<vmem>>) semaphore(%arg24 : memref<!tpu.dma_semaphore, #tpu.memory_space<semaphore_mem>>)
    %dma_start3A_96 = arith.constant 2 : i32
    %dma_start3A_97 = arith.constant 0 : i32
    %dma_start3A_98 = tpu.memref_slice %arg7[%dma_start3A_96, %dma_start3A_97] : memref<200x128xi32, #tpu.memory_space<vmem>> -> memref<1x128xi32, #tpu.memory_space<vmem>>
    %dma_start3A_99 = tpu.memref_squeeze %dma_start3A_98 : memref<1x128xi32, #tpu.memory_space<vmem>> -> memref<128xi32, #tpu.memory_space<vmem>>
    %dma_start3A_100 = arith.constant 0 : i32
    %dma_start3A_101 = tpu.memref_slice %arg2[%dma_start3A_100] : memref<1000000xf32, #tpu.memory_space<hbm>> -> memref<1000000xf32, #tpu.memory_space<hbm>>
    tpu.enqueue_indirect_dma source(%dma_start3A_101 : memref<1000000xf32, #tpu.memory_space<hbm>>) target(%arg12 : memref<128xf32, #tpu.memory_space<vmem>>) offsets(%dma_start3A_99 : memref<128xi32, #tpu.memory_space<vmem>>) semaphore(%arg21 : memref<!tpu.dma_semaphore, #tpu.memory_space<semaphore_mem>>)
    %dma_start3A_102 = arith.constant 2 : i32
    %dma_start3A_103 = arith.constant 0 : i32
    %dma_start3A_104 = tpu.memref_slice %arg7[%dma_start3A_102, %dma_start3A_103] : memref<200x128xi32, #tpu.memory_space<vmem>> -> memref<1x128xi32, #tpu.memory_space<vmem>>
    %dma_start3A_105 = tpu.memref_squeeze %dma_start3A_104 : memref<1x128xi32, #tpu.memory_space<vmem>> -> memref<128xi32, #tpu.memory_space<vmem>>
    %dma_start3A_106 = arith.constant 0 : i32
    %dma_start3A_107 = tpu.memref_slice %arg3[%dma_start3A_106] : memref<1000000xf32, #tpu.memory_space<hbm>> -> memref<1000000xf32, #tpu.memory_space<hbm>>
    tpu.enqueue_indirect_dma source(%dma_start3A_107 : memref<1000000xf32, #tpu.memory_space<hbm>>) target(%arg16 : memref<128xf32, #tpu.memory_space<vmem>>) offsets(%dma_start3A_105 : memref<128xi32, #tpu.memory_space<vmem>>) semaphore(%arg25 : memref<!tpu.dma_semaphore, #tpu.memory_space<semaphore_mem>>)
    %scan3A = arith.constant 0 : i32
    %scan3A_108 = arith.constant 0 : i32
    %scan3A_109 = arith.constant 50 : i32
    %scan3A_110 = arith.addi %scan3A_108, %scan3A_109 : i32
    %scan3A_111 = arith.constant 1 : i32
    scf.for %scan3A_118 = %scan3A_108 to %scan3A_110 step %scan3A_111  : i32 {
      %mul3A_119 = arith.constant 4 : i32
      %mul3A_120 = arith.muli %scan3A_118, %mul3A_119 : i32
      %add3A_121 = arith.constant 0 : i32
      %add3A_122 = arith.addi %mul3A_120, %add3A_121 : i32
      %add3A_123 = arith.constant 4 : i32
      %add3A_124 = arith.addi %add3A_122, %add3A_123 : i32
      %sub3A = arith.constant 1 : i32
      %sub3A_125 = arith.subi %add3A_124, %sub3A : i32
      %lt3A = arith.constant 200 : i32
      %lt3A_126 = arith.cmpi slt, %sub3A_125, %lt3A : i32
      %convert_element_type3A = arith.extui %lt3A_126 : i1 to i32
      %cond3A = arith.constant 0 : i32
      %cond3A_127 = arith.cmpi ne, %convert_element_type3A, %cond3A : i32
      scf.if %cond3A_127 {
        %add3A_918 = arith.constant 4 : i32
        %add3A_919 = arith.addi %add3A_122, %add3A_918 : i32
        %sub3A_920 = arith.constant 1 : i32
        %sub3A_921 = arith.subi %add3A_919, %sub3A_920 : i32
        %dma_start3A_922 = arith.constant 0 : i32
        %dma_start3A_923 = tpu.memref_slice %arg7[%sub3A_921, %dma_start3A_922] : memref<200x128xi32, #tpu.memory_space<vmem>> -> memref<1x128xi32, #tpu.memory_space<vmem>>
        %dma_start3A_924 = tpu.memref_squeeze %dma_start3A_923 : memref<1x128xi32, #tpu.memory_space<vmem>> -> memref<128xi32, #tpu.memory_space<vmem>>
        %dma_start3A_925 = arith.constant 0 : i32
        %dma_start3A_926 = tpu.memref_slice %arg2[%dma_start3A_925] : memref<1000000xf32, #tpu.memory_space<hbm>> -> memref<1000000xf32, #tpu.memory_space<hbm>>
        tpu.enqueue_indirect_dma source(%dma_start3A_926 : memref<1000000xf32, #tpu.memory_space<hbm>>) target(%arg13 : memref<128xf32, #tpu.memory_space<vmem>>) offsets(%dma_start3A_924 : memref<128xi32, #tpu.memory_space<vmem>>) semaphore(%arg22 : memref<!tpu.dma_semaphore, #tpu.memory_space<semaphore_mem>>)
        %dma_start3A_927 = arith.constant 0 : i32
        %dma_start3A_928 = tpu.memref_slice %arg7[%sub3A_921, %dma_start3A_927] : memref<200x128xi32, #tpu.memory_space<vmem>> -> memref<1x128xi32, #tpu.memory_space<vmem>>
        %dma_start3A_929 = tpu.memref_squeeze %dma_start3A_928 : memref<1x128xi32, #tpu.memory_space<vmem>> -> memref<128xi32, #tpu.memory_space<vmem>>
        %dma_start3A_930 = arith.constant 0 : i32
        %dma_start3A_931 = tpu.memref_slice %arg3[%dma_start3A_930] : memref<1000000xf32, #tpu.memory_space<hbm>> -> memref<1000000xf32, #tpu.memory_space<hbm>>
        tpu.enqueue_indirect_dma source(%dma_start3A_931 : memref<1000000xf32, #tpu.memory_space<hbm>>) target(%arg17 : memref<128xf32, #tpu.memory_space<vmem>>) offsets(%dma_start3A_929 : memref<128xi32, #tpu.memory_space<vmem>>) semaphore(%arg26 : memref<!tpu.dma_semaphore, #tpu.memory_space<semaphore_mem>>)
      } else {
      }
      %dma_wait3A = arith.constant 0 : i32
      %dma_wait3A_128 = arith.constant 0 : i32
      %dma_wait3A_129 = tpu.memref_slice %arg7[%dma_wait3A, %dma_wait3A_128] : memref<200x128xi32, #tpu.memory_space<vmem>> -> memref<1x128xi32, #tpu.memory_space<vmem>>
      %dma_wait3A_130 = tpu.memref_squeeze %dma_wait3A_129 : memref<1x128xi32, #tpu.memory_space<vmem>> -> memref<128xi32, #tpu.memory_space<vmem>>
      %dma_wait3A_131 = arith.constant 0 : i32
      %dma_wait3A_132 = tpu.memref_slice %arg2[%dma_wait3A_131] : memref<1000000xf32, #tpu.memory_space<hbm>> -> memref<1000000xf32, #tpu.memory_space<hbm>>
      tpu.wait_indirect_dma semaphore(%arg19 : memref<!tpu.dma_semaphore, #tpu.memory_space<semaphore_mem>>) src(%dma_wait3A_132 : memref<1000000xf32, #tpu.memory_space<hbm>>) dst(%arg10 : memref<128xf32, #tpu.memory_space<vmem>>)
      %dma_wait3A_133 = arith.constant 0 : i32
      %dma_wait3A_134 = arith.constant 0 : i32
      %dma_wait3A_135 = tpu.memref_slice %arg7[%dma_wait3A_133, %dma_wait3A_134] : memref<200x128xi32, #tpu.memory_space<vmem>> -> memref<1x128xi32, #tpu.memory_space<vmem>>
      %dma_wait3A_136 = tpu.memref_squeeze %dma_wait3A_135 : memref<1x128xi32, #tpu.memory_space<vmem>> -> memref<128xi32, #tpu.memory_space<vmem>>
      %dma_wait3A_137 = arith.constant 0 : i32
      %dma_wait3A_138 = tpu.memref_slice %arg3[%dma_wait3A_137] : memref<1000000xf32, #tpu.memory_space<hbm>> -> memref<1000000xf32, #tpu.memory_space<hbm>>
      tpu.wait_indirect_dma semaphore(%arg23 : memref<!tpu.dma_semaphore, #tpu.memory_space<semaphore_mem>>) src(%dma_wait3A_138 : memref<1000000xf32, #tpu.memory_space<hbm>>) dst(%arg14 : memref<128xf32, #tpu.memory_space<vmem>>)
      %get3A_139 = arith.constant 0 : index
      %get3A_140 = tpu.vector_load %arg8[%get3A_139] {strides = array<i32>} : memref<128xf32, #tpu.memory_space<vmem>>, vector<16xf32>,
      %get3A_141 = vector.shape_cast %get3A_140 : vector<16xf32> to vector<16xf32>
      %get3A_142 = arith.constant 0 : index
      %get3A_143 = tpu.vector_load %arg10[%get3A_142] {strides = array<i32>} : memref<128xf32, #tpu.memory_space<vmem>>, vector<16xf32>,
      %get3A_144 = vector.shape_cast %get3A_143 : vector<16xf32> to vector<16xf32>
      %add3A_145 = arith.addf %get3A_141, %get3A_144 : vector<16xf32>
      %swap3A_146 = arith.constant 0 : index
      %swap3A_147 = tpu.vector_load %arg8[%swap3A_146] {strides = array<i32>} : memref<128xf32, #tpu.memory_space<vmem>>, vector<16xf32>,
      %swap3A_148 = vector.shape_cast %swap3A_147 : vector<16xf32> to vector<16xf32>
      %swap3A_149 = vector.shape_cast %add3A_145 : vector<16xf32> to vector<16xf32>
      tpu.vector_store %arg8[%swap3A_146], %swap3A_149 {strides = array<i32>} : memref<128xf32, #tpu.memory_space<vmem>>, vector<16xf32>,
      %get3A_150 = arith.constant 16 : index
      %get3A_151 = tpu.vector_load %arg8[%get3A_150] {strides = array<i32>} : memref<128xf32, #tpu.memory_space<vmem>>, vector<16xf32>,
      %get3A_152 = vector.shape_cast %get3A_151 : vector<16xf32> to vector<16xf32>
      %get3A_153 = arith.constant 16 : index
      %get3A_154 = tpu.vector_load %arg10[%get3A_153] {strides = array<i32>} : memref<128xf32, #tpu.memory_space<vmem>>, vector<16xf32>,
      %get3A_155 = vector.shape_cast %get3A_154 : vector<16xf32> to vector<16xf32>
      %add3A_156 = arith.addf %get3A_152, %get3A_155 : vector<16xf32>
      %swap3A_157 = arith.constant 16 : index
      %swap3A_158 = tpu.vector_load %arg8[%swap3A_157] {strides = array<i32>} : memref<128xf32, #tpu.memory_space<vmem>>, vector<16xf32>,
      %swap3A_159 = vector.shape_cast %swap3A_158 : vector<16xf32> to vector<16xf32>
      %swap3A_160 = vector.shape_cast %add3A_156 : vector<16xf32> to vector<16xf32>
      tpu.vector_store %arg8[%swap3A_157], %swap3A_160 {strides = array<i32>} : memref<128xf32, #tpu.memory_space<vmem>>, vector<16xf32>,
      %get3A_161 = arith.constant 32 : index
      %get3A_162 = tpu.vector_load %arg8[%get3A_161] {strides = array<i32>} : memref<128xf32, #tpu.memory_space<vmem>>, vector<16xf32>,
      %get3A_163 = vector.shape_cast %get3A_162 : vector<16xf32> to vector<16xf32>
      %get3A_164 = arith.constant 32 : index
      %get3A_165 = tpu.vector_load %arg10[%get3A_164] {strides = array<i32>} : memref<128xf32, #tpu.memory_space<vmem>>, vector<16xf32>,
      %get3A_166 = vector.shape_cast %get3A_165 : vector<16xf32> to vector<16xf32>
      %add3A_167 = arith.addf %get3A_163, %get3A_166 : vector<16xf32>
      %swap3A_168 = arith.constant 32 : index
      %swap3A_169 = tpu.vector_load %arg8[%swap3A_168] {strides = array<i32>} : memref<128xf32, #tpu.memory_space<vmem>>, vector<16xf32>,
      %swap3A_170 = vector.shape_cast %swap3A_169 : vector<16xf32> to vector<16xf32>
      %swap3A_171 = vector.shape_cast %add3A_167 : vector<16xf32> to vector<16xf32>
      tpu.vector_store %arg8[%swap3A_168], %swap3A_171 {strides = array<i32>} : memref<128xf32, #tpu.memory_space<vmem>>, vector<16xf32>,
      %get3A_172 = arith.constant 48 : index
      %get3A_173 = tpu.vector_load %arg8[%get3A_172] {strides = array<i32>} : memref<128xf32, #tpu.memory_space<vmem>>, vector<16xf32>,
      %get3A_174 = vector.shape_cast %get3A_173 : vector<16xf32> to vector<16xf32>
      %get3A_175 = arith.constant 48 : index
      %get3A_176 = tpu.vector_load %arg10[%get3A_175] {strides = array<i32>} : memref<128xf32, #tpu.memory_space<vmem>>, vector<16xf32>,
      %get3A_177 = vector.shape_cast %get3A_176 : vector<16xf32> to vector<16xf32>
      %add3A_178 = arith.addf %get3A_174, %get3A_177 : vector<16xf32>
      %swap3A_179 = arith.constant 48 : index
      %swap3A_180 = tpu.vector_load %arg8[%swap3A_179] {strides = array<i32>} : memref<128xf32, #tpu.memory_space<vmem>>, vector<16xf32>,
      %swap3A_181 = vector.shape_cast %swap3A_180 : vector<16xf32> to vector<16xf32>
      %swap3A_182 = vector.shape_cast %add3A_178 : vector<16xf32> to vector<16xf32>
      tpu.vector_store %arg8[%swap3A_179], %swap3A_182 {strides = array<i32>} : memref<128xf32, #tpu.memory_space<vmem>>, vector<16xf32>,
      %get3A_183 = arith.constant 64 : index
      %get3A_184 = tpu.vector_load %arg8[%get3A_183] {strides = array<i32>} : memref<128xf32, #tpu.memory_space<vmem>>, vector<16xf32>,
      %get3A_185 = vector.shape_cast %get3A_184 : vector<16xf32> to vector<16xf32>
      %get3A_186 = arith.constant 64 : index
      %get3A_187 = tpu.vector_load %arg10[%get3A_186] {strides = array<i32>} : memref<128xf32, #tpu.memory_space<vmem>>, vector<16xf32>,
      %get3A_188 = vector.shape_cast %get3A_187 : vector<16xf32> to vector<16xf32>
      %add3A_189 = arith.addf %get3A_185, %get3A_188 : vector<16xf32>
      %swap3A_190 = arith.constant 64 : index
      %swap3A_191 = tpu.vector_load %arg8[%swap3A_190] {strides = array<i32>} : memref<128xf32, #tpu.memory_space<vmem>>, vector<16xf32>,
      %swap3A_192 = vector.shape_cast %swap3A_191 : vector<16xf32> to vector<16xf32>
      %swap3A_193 = vector.shape_cast %add3A_189 : vector<16xf32> to vector<16xf32>
      tpu.vector_store %arg8[%swap3A_190], %swap3A_193 {strides = array<i32>} : memref<128xf32, #tpu.memory_space<vmem>>, vector<16xf32>,
      %get3A_194 = arith.constant 80 : index
      %get3A_195 = tpu.vector_load %arg8[%get3A_194] {strides = array<i32>} : memref<128xf32, #tpu.memory_space<vmem>>, vector<16xf32>,
      %get3A_196 = vector.shape_cast %get3A_195 : vector<16xf32> to vector<16xf32>
      %get3A_197 = arith.constant 80 : index
      %get3A_198 = tpu.vector_load %arg10[%get3A_197] {strides = array<i32>} : memref<128xf32, #tpu.memory_space<vmem>>, vector<16xf32>,
      %get3A_199 = vector.shape_cast %get3A_198 : vector<16xf32> to vector<16xf32>
      %add3A_200 = arith.addf %get3A_196, %get3A_199 : vector<16xf32>
      %swap3A_201 = arith.constant 80 : index
      %swap3A_202 = tpu.vector_load %arg8[%swap3A_201] {strides = array<i32>} : memref<128xf32, #tpu.memory_space<vmem>>, vector<16xf32>,
      %swap3A_203 = vector.shape_cast %swap3A_202 : vector<16xf32> to vector<16xf32>
      %swap3A_204 = vector.shape_cast %add3A_200 : vector<16xf32> to vector<16xf32>
      tpu.vector_store %arg8[%swap3A_201], %swap3A_204 {strides = array<i32>} : memref<128xf32, #tpu.memory_space<vmem>>, vector<16xf32>,
      %get3A_205 = arith.constant 96 : index
      %get3A_206 = tpu.vector_load %arg8[%get3A_205] {strides = array<i32>} : memref<128xf32, #tpu.memory_space<vmem>>, vector<16xf32>,
      %get3A_207 = vector.shape_cast %get3A_206 : vector<16xf32> to vector<16xf32>
      %get3A_208 = arith.constant 96 : index
      %get3A_209 = tpu.vector_load %arg10[%get3A_208] {strides = array<i32>} : memref<128xf32, #tpu.memory_space<vmem>>, vector<16xf32>,
      %get3A_210 = vector.shape_cast %get3A_209 : vector<16xf32> to vector<16xf32>
      %add3A_211 = arith.addf %get3A_207, %get3A_210 : vector<16xf32>
      %swap3A_212 = arith.constant 96 : index
      %swap3A_213 = tpu.vector_load %arg8[%swap3A_212] {strides = array<i32>} : memref<128xf32, #tpu.memory_space<vmem>>, vector<16xf32>,
      %swap3A_214 = vector.shape_cast %swap3A_213 : vector<16xf32> to vector<16xf32>
      %swap3A_215 = vector.shape_cast %add3A_211 : vector<16xf32> to vector<16xf32>
      tpu.vector_store %arg8[%swap3A_212], %swap3A_215 {strides = array<i32>} : memref<128xf32, #tpu.memory_space<vmem>>, vector<16xf32>,
      %get3A_216 = arith.constant 112 : index
      %get3A_217 = tpu.vector_load %arg8[%get3A_216] {strides = array<i32>} : memref<128xf32, #tpu.memory_space<vmem>>, vector<16xf32>,
      %get3A_218 = vector.shape_cast %get3A_217 : vector<16xf32> to vector<16xf32>
      %get3A_219 = arith.constant 112 : index
      %get3A_220 = tpu.vector_load %arg10[%get3A_219] {strides = array<i32>} : memref<128xf32, #tpu.memory_space<vmem>>, vector<16xf32>,
      %get3A_221 = vector.shape_cast %get3A_220 : vector<16xf32> to vector<16xf32>
      %add3A_222 = arith.addf %get3A_218, %get3A_221 : vector<16xf32>
      %swap3A_223 = arith.constant 112 : index
      %swap3A_224 = tpu.vector_load %arg8[%swap3A_223] {strides = array<i32>} : memref<128xf32, #tpu.memory_space<vmem>>, vector<16xf32>,
      %swap3A_225 = vector.shape_cast %swap3A_224 : vector<16xf32> to vector<16xf32>
      %swap3A_226 = vector.shape_cast %add3A_222 : vector<16xf32> to vector<16xf32>
      tpu.vector_store %arg8[%swap3A_223], %swap3A_226 {strides = array<i32>} : memref<128xf32, #tpu.memory_space<vmem>>, vector<16xf32>,
      %get3A_227 = arith.constant 0 : index
      %get3A_228 = tpu.vector_load %arg9[%get3A_227] {strides = array<i32>} : memref<128xf32, #tpu.memory_space<vmem>>, vector<16xf32>,
      %get3A_229 = vector.shape_cast %get3A_228 : vector<16xf32> to vector<16xf32>
      %get3A_230 = arith.constant 0 : index
      %get3A_231 = tpu.vector_load %arg14[%get3A_230] {strides = array<i32>} : memref<128xf32, #tpu.memory_space<vmem>>, vector<16xf32>,
      %get3A_232 = vector.shape_cast %get3A_231 : vector<16xf32> to vector<16xf32>
      %add3A_233 = arith.addf %get3A_229, %get3A_232 : vector<16xf32>
      %swap3A_234 = arith.constant 0 : index
      %swap3A_235 = tpu.vector_load %arg9[%swap3A_234] {strides = array<i32>} : memref<128xf32, #tpu.memory_space<vmem>>, vector<16xf32>,
      %swap3A_236 = vector.shape_cast %swap3A_235 : vector<16xf32> to vector<16xf32>
      %swap3A_237 = vector.shape_cast %add3A_233 : vector<16xf32> to vector<16xf32>
      tpu.vector_store %arg9[%swap3A_234], %swap3A_237 {strides = array<i32>} : memref<128xf32, #tpu.memory_space<vmem>>, vector<16xf32>,
      %get3A_238 = arith.constant 16 : index
      %get3A_239 = tpu.vector_load %arg9[%get3A_238] {strides = array<i32>} : memref<128xf32, #tpu.memory_space<vmem>>, vector<16xf32>,
      %get3A_240 = vector.shape_cast %get3A_239 : vector<16xf32> to vector<16xf32>
      %get3A_241 = arith.constant 16 : index
      %get3A_242 = tpu.vector_load %arg14[%get3A_241] {strides = array<i32>} : memref<128xf32, #tpu.memory_space<vmem>>, vector<16xf32>,
      %get3A_243 = vector.shape_cast %get3A_242 : vector<16xf32> to vector<16xf32>
      %add3A_244 = arith.addf %get3A_240, %get3A_243 : vector<16xf32>
      %swap3A_245 = arith.constant 16 : index
      %swap3A_246 = tpu.vector_load %arg9[%swap3A_245] {strides = array<i32>} : memref<128xf32, #tpu.memory_space<vmem>>, vector<16xf32>,
      %swap3A_247 = vector.shape_cast %swap3A_246 : vector<16xf32> to vector<16xf32>
      %swap3A_248 = vector.shape_cast %add3A_244 : vector<16xf32> to vector<16xf32>
      tpu.vector_store %arg9[%swap3A_245], %swap3A_248 {strides = array<i32>} : memref<128xf32, #tpu.memory_space<vmem>>, vector<16xf32>,
      %get3A_249 = arith.constant 32 : index
      %get3A_250 = tpu.vector_load %arg9[%get3A_249] {strides = array<i32>} : memref<128xf32, #tpu.memory_space<vmem>>, vector<16xf32>,
      %get3A_251 = vector.shape_cast %get3A_250 : vector<16xf32> to vector<16xf32>
      %get3A_252 = arith.constant 32 : index
      %get3A_253 = tpu.vector_load %arg14[%get3A_252] {strides = array<i32>} : memref<128xf32, #tpu.memory_space<vmem>>, vector<16xf32>,
      %get3A_254 = vector.shape_cast %get3A_253 : vector<16xf32> to vector<16xf32>
      %add3A_255 = arith.addf %get3A_251, %get3A_254 : vector<16xf32>
      %swap3A_256 = arith.constant 32 : index
      %swap3A_257 = tpu.vector_load %arg9[%swap3A_256] {strides = array<i32>} : memref<128xf32, #tpu.memory_space<vmem>>, vector<16xf32>,
      %swap3A_258 = vector.shape_cast %swap3A_257 : vector<16xf32> to vector<16xf32>
      %swap3A_259 = vector.shape_cast %add3A_255 : vector<16xf32> to vector<16xf32>
      tpu.vector_store %arg9[%swap3A_256], %swap3A_259 {strides = array<i32>} : memref<128xf32, #tpu.memory_space<vmem>>, vector<16xf32>,
      %get3A_260 = arith.constant 48 : index
      %get3A_261 = tpu.vector_load %arg9[%get3A_260] {strides = array<i32>} : memref<128xf32, #tpu.memory_space<vmem>>, vector<16xf32>,
      %get3A_262 = vector.shape_cast %get3A_261 : vector<16xf32> to vector<16xf32>
      %get3A_263 = arith.constant 48 : index
      %get3A_264 = tpu.vector_load %arg14[%get3A_263] {strides = array<i32>} : memref<128xf32, #tpu.memory_space<vmem>>, vector<16xf32>,
      %get3A_265 = vector.shape_cast %get3A_264 : vector<16xf32> to vector<16xf32>
      %add3A_266 = arith.addf %get3A_262, %get3A_265 : vector<16xf32>
      %swap3A_267 = arith.constant 48 : index
      %swap3A_268 = tpu.vector_load %arg9[%swap3A_267] {strides = array<i32>} : memref<128xf32, #tpu.memory_space<vmem>>, vector<16xf32>,
      %swap3A_269 = vector.shape_cast %swap3A_268 : vector<16xf32> to vector<16xf32>
      %swap3A_270 = vector.shape_cast %add3A_266 : vector<16xf32> to vector<16xf32>
      tpu.vector_store %arg9[%swap3A_267], %swap3A_270 {strides = array<i32>} : memref<128xf32, #tpu.memory_space<vmem>>, vector<16xf32>,
      %get3A_271 = arith.constant 64 : index
      %get3A_272 = tpu.vector_load %arg9[%get3A_271] {strides = array<i32>} : memref<128xf32, #tpu.memory_space<vmem>>, vector<16xf32>,
      %get3A_273 = vector.shape_cast %get3A_272 : vector<16xf32> to vector<16xf32>
      %get3A_274 = arith.constant 64 : index
      %get3A_275 = tpu.vector_load %arg14[%get3A_274] {strides = array<i32>} : memref<128xf32, #tpu.memory_space<vmem>>, vector<16xf32>,
      %get3A_276 = vector.shape_cast %get3A_275 : vector<16xf32> to vector<16xf32>
      %add3A_277 = arith.addf %get3A_273, %get3A_276 : vector<16xf32>
      %swap3A_278 = arith.constant 64 : index
      %swap3A_279 = tpu.vector_load %arg9[%swap3A_278] {strides = array<i32>} : memref<128xf32, #tpu.memory_space<vmem>>, vector<16xf32>,
      %swap3A_280 = vector.shape_cast %swap3A_279 : vector<16xf32> to vector<16xf32>
      %swap3A_281 = vector.shape_cast %add3A_277 : vector<16xf32> to vector<16xf32>
      tpu.vector_store %arg9[%swap3A_278], %swap3A_281 {strides = array<i32>} : memref<128xf32, #tpu.memory_space<vmem>>, vector<16xf32>,
      %get3A_282 = arith.constant 80 : index
      %get3A_283 = tpu.vector_load %arg9[%get3A_282] {strides = array<i32>} : memref<128xf32, #tpu.memory_space<vmem>>, vector<16xf32>,
      %get3A_284 = vector.shape_cast %get3A_283 : vector<16xf32> to vector<16xf32>
      %get3A_285 = arith.constant 80 : index
      %get3A_286 = tpu.vector_load %arg14[%get3A_285] {strides = array<i32>} : memref<128xf32, #tpu.memory_space<vmem>>, vector<16xf32>,
      %get3A_287 = vector.shape_cast %get3A_286 : vector<16xf32> to vector<16xf32>
      %add3A_288 = arith.addf %get3A_284, %get3A_287 : vector<16xf32>
      %swap3A_289 = arith.constant 80 : index
      %swap3A_290 = tpu.vector_load %arg9[%swap3A_289] {strides = array<i32>} : memref<128xf32, #tpu.memory_space<vmem>>, vector<16xf32>,
      %swap3A_291 = vector.shape_cast %swap3A_290 : vector<16xf32> to vector<16xf32>
      %swap3A_292 = vector.shape_cast %add3A_288 : vector<16xf32> to vector<16xf32>
      tpu.vector_store %arg9[%swap3A_289], %swap3A_292 {strides = array<i32>} : memref<128xf32, #tpu.memory_space<vmem>>, vector<16xf32>,
      %get3A_293 = arith.constant 96 : index
      %get3A_294 = tpu.vector_load %arg9[%get3A_293] {strides = array<i32>} : memref<128xf32, #tpu.memory_space<vmem>>, vector<16xf32>,
      %get3A_295 = vector.shape_cast %get3A_294 : vector<16xf32> to vector<16xf32>
      %get3A_296 = arith.constant 96 : index
      %get3A_297 = tpu.vector_load %arg14[%get3A_296] {strides = array<i32>} : memref<128xf32, #tpu.memory_space<vmem>>, vector<16xf32>,
      %get3A_298 = vector.shape_cast %get3A_297 : vector<16xf32> to vector<16xf32>
      %add3A_299 = arith.addf %get3A_295, %get3A_298 : vector<16xf32>
      %swap3A_300 = arith.constant 96 : index
      %swap3A_301 = tpu.vector_load %arg9[%swap3A_300] {strides = array<i32>} : memref<128xf32, #tpu.memory_space<vmem>>, vector<16xf32>,
      %swap3A_302 = vector.shape_cast %swap3A_301 : vector<16xf32> to vector<16xf32>
      %swap3A_303 = vector.shape_cast %add3A_299 : vector<16xf32> to vector<16xf32>
      tpu.vector_store %arg9[%swap3A_300], %swap3A_303 {strides = array<i32>} : memref<128xf32, #tpu.memory_space<vmem>>, vector<16xf32>,
      %get3A_304 = arith.constant 112 : index
      %get3A_305 = tpu.vector_load %arg9[%get3A_304] {strides = array<i32>} : memref<128xf32, #tpu.memory_space<vmem>>, vector<16xf32>,
      %get3A_306 = vector.shape_cast %get3A_305 : vector<16xf32> to vector<16xf32>
      %get3A_307 = arith.constant 112 : index
      %get3A_308 = tpu.vector_load %arg14[%get3A_307] {strides = array<i32>} : memref<128xf32, #tpu.memory_space<vmem>>, vector<16xf32>,
      %get3A_309 = vector.shape_cast %get3A_308 : vector<16xf32> to vector<16xf32>
      %add3A_310 = arith.addf %get3A_306, %get3A_309 : vector<16xf32>
      %swap3A_311 = arith.constant 112 : index
      %swap3A_312 = tpu.vector_load %arg9[%swap3A_311] {strides = array<i32>} : memref<128xf32, #tpu.memory_space<vmem>>, vector<16xf32>,
      %swap3A_313 = vector.shape_cast %swap3A_312 : vector<16xf32> to vector<16xf32>
      %swap3A_314 = vector.shape_cast %add3A_310 : vector<16xf32> to vector<16xf32>
      tpu.vector_store %arg9[%swap3A_311], %swap3A_314 {strides = array<i32>} : memref<128xf32, #tpu.memory_space<vmem>>, vector<16xf32>,
      %mul3A_315 = arith.constant 4 : i32
      %mul3A_316 = arith.muli %scan3A_118, %mul3A_315 : i32
      %add3A_317 = arith.constant 1 : i32
      %add3A_318 = arith.addi %mul3A_316, %add3A_317 : i32
      %add3A_319 = arith.constant 4 : i32
      %add3A_320 = arith.addi %add3A_318, %add3A_319 : i32
      %sub3A_321 = arith.constant 1 : i32
      %sub3A_322 = arith.subi %add3A_320, %sub3A_321 : i32
      %lt3A_323 = arith.constant 200 : i32
      %lt3A_324 = arith.cmpi slt, %sub3A_322, %lt3A_323 : i32
      %convert_element_type3A_325 = arith.extui %lt3A_324 : i1 to i32
      %cond3A_326 = arith.constant 0 : i32
      %cond3A_327 = arith.cmpi ne, %convert_element_type3A_325, %cond3A_326 : i32
      scf.if %cond3A_327 {
        %add3A_918 = arith.constant 4 : i32
        %add3A_919 = arith.addi %add3A_318, %add3A_918 : i32
        %sub3A_920 = arith.constant 1 : i32
        %sub3A_921 = arith.subi %add3A_919, %sub3A_920 : i32
        %dma_start3A_922 = arith.constant 0 : i32
        %dma_start3A_923 = tpu.memref_slice %arg7[%sub3A_921, %dma_start3A_922] : memref<200x128xi32, #tpu.memory_space<vmem>> -> memref<1x128xi32, #tpu.memory_space<vmem>>
        %dma_start3A_924 = tpu.memref_squeeze %dma_start3A_923 : memref<1x128xi32, #tpu.memory_space<vmem>> -> memref<128xi32, #tpu.memory_space<vmem>>
        %dma_start3A_925 = arith.constant 0 : i32
        %dma_start3A_926 = tpu.memref_slice %arg2[%dma_start3A_925] : memref<1000000xf32, #tpu.memory_space<hbm>> -> memref<1000000xf32, #tpu.memory_space<hbm>>
        tpu.enqueue_indirect_dma source(%dma_start3A_926 : memref<1000000xf32, #tpu.memory_space<hbm>>) target(%arg10 : memref<128xf32, #tpu.memory_space<vmem>>) offsets(%dma_start3A_924 : memref<128xi32, #tpu.memory_space<vmem>>) semaphore(%arg19 : memref<!tpu.dma_semaphore, #tpu.memory_space<semaphore_mem>>)
        %dma_start3A_927 = arith.constant 0 : i32
        %dma_start3A_928 = tpu.memref_slice %arg7[%sub3A_921, %dma_start3A_927] : memref<200x128xi32, #tpu.memory_space<vmem>> -> memref<1x128xi32, #tpu.memory_space<vmem>>
        %dma_start3A_929 = tpu.memref_squeeze %dma_start3A_928 : memref<1x128xi32, #tpu.memory_space<vmem>> -> memref<128xi32, #tpu.memory_space<vmem>>
        %dma_start3A_930 = arith.constant 0 : i32
        %dma_start3A_931 = tpu.memref_slice %arg3[%dma_start3A_930] : memref<1000000xf32, #tpu.memory_space<hbm>> -> memref<1000000xf32, #tpu.memory_space<hbm>>
        tpu.enqueue_indirect_dma source(%dma_start3A_931 : memref<1000000xf32, #tpu.memory_space<hbm>>) target(%arg14 : memref<128xf32, #tpu.memory_space<vmem>>) offsets(%dma_start3A_929 : memref<128xi32, #tpu.memory_space<vmem>>) semaphore(%arg23 : memref<!tpu.dma_semaphore, #tpu.memory_space<semaphore_mem>>)
      } else {
      }
      %dma_wait3A_328 = arith.constant 0 : i32
      %dma_wait3A_329 = arith.constant 0 : i32
      %dma_wait3A_330 = tpu.memref_slice %arg7[%dma_wait3A_328, %dma_wait3A_329] : memref<200x128xi32, #tpu.memory_space<vmem>> -> memref<1x128xi32, #tpu.memory_space<vmem>>
      %dma_wait3A_331 = tpu.memref_squeeze %dma_wait3A_330 : memref<1x128xi32, #tpu.memory_space<vmem>> -> memref<128xi32, #tpu.memory_space<vmem>>
      %dma_wait3A_332 = arith.constant 0 : i32
      %dma_wait3A_333 = tpu.memref_slice %arg2[%dma_wait3A_332] : memref<1000000xf32, #tpu.memory_space<hbm>> -> memref<1000000xf32, #tpu.memory_space<hbm>>
      tpu.wait_indirect_dma semaphore(%arg20 : memref<!tpu.dma_semaphore, #tpu.memory_space<semaphore_mem>>) src(%dma_wait3A_333 : memref<1000000xf32, #tpu.memory_space<hbm>>) dst(%arg11 : memref<128xf32, #tpu.memory_space<vmem>>)
      %dma_wait3A_334 = arith.constant 0 : i32
      %dma_wait3A_335 = arith.constant 0 : i32
      %dma_wait3A_336 = tpu.memref_slice %arg7[%dma_wait3A_334, %dma_wait3A_335] : memref<200x128xi32, #tpu.memory_space<vmem>> -> memref<1x128xi32, #tpu.memory_space<vmem>>
      %dma_wait3A_337 = tpu.memref_squeeze %dma_wait3A_336 : memref<1x128xi32, #tpu.memory_space<vmem>> -> memref<128xi32, #tpu.memory_space<vmem>>
      %dma_wait3A_338 = arith.constant 0 : i32
      %dma_wait3A_339 = tpu.memref_slice %arg3[%dma_wait3A_338] : memref<1000000xf32, #tpu.memory_space<hbm>> -> memref<1000000xf32, #tpu.memory_space<hbm>>
      tpu.wait_indirect_dma semaphore(%arg24 : memref<!tpu.dma_semaphore, #tpu.memory_space<semaphore_mem>>) src(%dma_wait3A_339 : memref<1000000xf32, #tpu.memory_space<hbm>>) dst(%arg15 : memref<128xf32, #tpu.memory_space<vmem>>)
      %get3A_340 = arith.constant 0 : index
      %get3A_341 = tpu.vector_load %arg8[%get3A_340] {strides = array<i32>} : memref<128xf32, #tpu.memory_space<vmem>>, vector<16xf32>,
      %get3A_342 = vector.shape_cast %get3A_341 : vector<16xf32> to vector<16xf32>
      %get3A_343 = arith.constant 0 : index
      %get3A_344 = tpu.vector_load %arg11[%get3A_343] {strides = array<i32>} : memref<128xf32, #tpu.memory_space<vmem>>, vector<16xf32>,
      %get3A_345 = vector.shape_cast %get3A_344 : vector<16xf32> to vector<16xf32>
      %add3A_346 = arith.addf %get3A_342, %get3A_345 : vector<16xf32>
      %swap3A_347 = arith.constant 0 : index
      %swap3A_348 = tpu.vector_load %arg8[%swap3A_347] {strides = array<i32>} : memref<128xf32, #tpu.memory_space<vmem>>, vector<16xf32>,
      %swap3A_349 = vector.shape_cast %swap3A_348 : vector<16xf32> to vector<16xf32>
      %swap3A_350 = vector.shape_cast %add3A_346 : vector<16xf32> to vector<16xf32>
      tpu.vector_store %arg8[%swap3A_347], %swap3A_350 {strides = array<i32>} : memref<128xf32, #tpu.memory_space<vmem>>, vector<16xf32>,
      %get3A_351 = arith.constant 16 : index
      %get3A_352 = tpu.vector_load %arg8[%get3A_351] {strides = array<i32>} : memref<128xf32, #tpu.memory_space<vmem>>, vector<16xf32>,
      %get3A_353 = vector.shape_cast %get3A_352 : vector<16xf32> to vector<16xf32>
      %get3A_354 = arith.constant 16 : index
      %get3A_355 = tpu.vector_load %arg11[%get3A_354] {strides = array<i32>} : memref<128xf32, #tpu.memory_space<vmem>>, vector<16xf32>,
      %get3A_356 = vector.shape_cast %get3A_355 : vector<16xf32> to vector<16xf32>
      %add3A_357 = arith.addf %get3A_353, %get3A_356 : vector<16xf32>
      %swap3A_358 = arith.constant 16 : index
      %swap3A_359 = tpu.vector_load %arg8[%swap3A_358] {strides = array<i32>} : memref<128xf32, #tpu.memory_space<vmem>>, vector<16xf32>,
      %swap3A_360 = vector.shape_cast %swap3A_359 : vector<16xf32> to vector<16xf32>
      %swap3A_361 = vector.shape_cast %add3A_357 : vector<16xf32> to vector<16xf32>
      tpu.vector_store %arg8[%swap3A_358], %swap3A_361 {strides = array<i32>} : memref<128xf32, #tpu.memory_space<vmem>>, vector<16xf32>,
      %get3A_362 = arith.constant 32 : index
      %get3A_363 = tpu.vector_load %arg8[%get3A_362] {strides = array<i32>} : memref<128xf32, #tpu.memory_space<vmem>>, vector<16xf32>,
      %get3A_364 = vector.shape_cast %get3A_363 : vector<16xf32> to vector<16xf32>
      %get3A_365 = arith.constant 32 : index
      %get3A_366 = tpu.vector_load %arg11[%get3A_365] {strides = array<i32>} : memref<128xf32, #tpu.memory_space<vmem>>, vector<16xf32>,
      %get3A_367 = vector.shape_cast %get3A_366 : vector<16xf32> to vector<16xf32>
      %add3A_368 = arith.addf %get3A_364, %get3A_367 : vector<16xf32>
      %swap3A_369 = arith.constant 32 : index
      %swap3A_370 = tpu.vector_load %arg8[%swap3A_369] {strides = array<i32>} : memref<128xf32, #tpu.memory_space<vmem>>, vector<16xf32>,
      %swap3A_371 = vector.shape_cast %swap3A_370 : vector<16xf32> to vector<16xf32>
      %swap3A_372 = vector.shape_cast %add3A_368 : vector<16xf32> to vector<16xf32>
      tpu.vector_store %arg8[%swap3A_369], %swap3A_372 {strides = array<i32>} : memref<128xf32, #tpu.memory_space<vmem>>, vector<16xf32>,
      %get3A_373 = arith.constant 48 : index
      %get3A_374 = tpu.vector_load %arg8[%get3A_373] {strides = array<i32>} : memref<128xf32, #tpu.memory_space<vmem>>, vector<16xf32>,
      %get3A_375 = vector.shape_cast %get3A_374 : vector<16xf32> to vector<16xf32>
      %get3A_376 = arith.constant 48 : index
      %get3A_377 = tpu.vector_load %arg11[%get3A_376] {strides = array<i32>} : memref<128xf32, #tpu.memory_space<vmem>>, vector<16xf32>,
      %get3A_378 = vector.shape_cast %get3A_377 : vector<16xf32> to vector<16xf32>
      %add3A_379 = arith.addf %get3A_375, %get3A_378 : vector<16xf32>
      %swap3A_380 = arith.constant 48 : index
      %swap3A_381 = tpu.vector_load %arg8[%swap3A_380] {strides = array<i32>} : memref<128xf32, #tpu.memory_space<vmem>>, vector<16xf32>,
      %swap3A_382 = vector.shape_cast %swap3A_381 : vector<16xf32> to vector<16xf32>
      %swap3A_383 = vector.shape_cast %add3A_379 : vector<16xf32> to vector<16xf32>
      tpu.vector_store %arg8[%swap3A_380], %swap3A_383 {strides = array<i32>} : memref<128xf32, #tpu.memory_space<vmem>>, vector<16xf32>,
      %get3A_384 = arith.constant 64 : index
      %get3A_385 = tpu.vector_load %arg8[%get3A_384] {strides = array<i32>} : memref<128xf32, #tpu.memory_space<vmem>>, vector<16xf32>,
      %get3A_386 = vector.shape_cast %get3A_385 : vector<16xf32> to vector<16xf32>
      %get3A_387 = arith.constant 64 : index
      %get3A_388 = tpu.vector_load %arg11[%get3A_387] {strides = array<i32>} : memref<128xf32, #tpu.memory_space<vmem>>, vector<16xf32>,
      %get3A_389 = vector.shape_cast %get3A_388 : vector<16xf32> to vector<16xf32>
      %add3A_390 = arith.addf %get3A_386, %get3A_389 : vector<16xf32>
      %swap3A_391 = arith.constant 64 : index
      %swap3A_392 = tpu.vector_load %arg8[%swap3A_391] {strides = array<i32>} : memref<128xf32, #tpu.memory_space<vmem>>, vector<16xf32>,
      %swap3A_393 = vector.shape_cast %swap3A_392 : vector<16xf32> to vector<16xf32>
      %swap3A_394 = vector.shape_cast %add3A_390 : vector<16xf32> to vector<16xf32>
      tpu.vector_store %arg8[%swap3A_391], %swap3A_394 {strides = array<i32>} : memref<128xf32, #tpu.memory_space<vmem>>, vector<16xf32>,
      %get3A_395 = arith.constant 80 : index
      %get3A_396 = tpu.vector_load %arg8[%get3A_395] {strides = array<i32>} : memref<128xf32, #tpu.memory_space<vmem>>, vector<16xf32>,
      %get3A_397 = vector.shape_cast %get3A_396 : vector<16xf32> to vector<16xf32>
      %get3A_398 = arith.constant 80 : index
      %get3A_399 = tpu.vector_load %arg11[%get3A_398] {strides = array<i32>} : memref<128xf32, #tpu.memory_space<vmem>>, vector<16xf32>,
      %get3A_400 = vector.shape_cast %get3A_399 : vector<16xf32> to vector<16xf32>
      %add3A_401 = arith.addf %get3A_397, %get3A_400 : vector<16xf32>
      %swap3A_402 = arith.constant 80 : index
      %swap3A_403 = tpu.vector_load %arg8[%swap3A_402] {strides = array<i32>} : memref<128xf32, #tpu.memory_space<vmem>>, vector<16xf32>,
      %swap3A_404 = vector.shape_cast %swap3A_403 : vector<16xf32> to vector<16xf32>
      %swap3A_405 = vector.shape_cast %add3A_401 : vector<16xf32> to vector<16xf32>
      tpu.vector_store %arg8[%swap3A_402], %swap3A_405 {strides = array<i32>} : memref<128xf32, #tpu.memory_space<vmem>>, vector<16xf32>,
      %get3A_406 = arith.constant 96 : index
      %get3A_407 = tpu.vector_load %arg8[%get3A_406] {strides = array<i32>} : memref<128xf32, #tpu.memory_space<vmem>>, vector<16xf32>,
      %get3A_408 = vector.shape_cast %get3A_407 : vector<16xf32> to vector<16xf32>
      %get3A_409 = arith.constant 96 : index
      %get3A_410 = tpu.vector_load %arg11[%get3A_409] {strides = array<i32>} : memref<128xf32, #tpu.memory_space<vmem>>, vector<16xf32>,
      %get3A_411 = vector.shape_cast %get3A_410 : vector<16xf32> to vector<16xf32>
      %add3A_412 = arith.addf %get3A_408, %get3A_411 : vector<16xf32>
      %swap3A_413 = arith.constant 96 : index
      %swap3A_414 = tpu.vector_load %arg8[%swap3A_413] {strides = array<i32>} : memref<128xf32, #tpu.memory_space<vmem>>, vector<16xf32>,
      %swap3A_415 = vector.shape_cast %swap3A_414 : vector<16xf32> to vector<16xf32>
      %swap3A_416 = vector.shape_cast %add3A_412 : vector<16xf32> to vector<16xf32>
      tpu.vector_store %arg8[%swap3A_413], %swap3A_416 {strides = array<i32>} : memref<128xf32, #tpu.memory_space<vmem>>, vector<16xf32>,
      %get3A_417 = arith.constant 112 : index
      %get3A_418 = tpu.vector_load %arg8[%get3A_417] {strides = array<i32>} : memref<128xf32, #tpu.memory_space<vmem>>, vector<16xf32>,
      %get3A_419 = vector.shape_cast %get3A_418 : vector<16xf32> to vector<16xf32>
      %get3A_420 = arith.constant 112 : index
      %get3A_421 = tpu.vector_load %arg11[%get3A_420] {strides = array<i32>} : memref<128xf32, #tpu.memory_space<vmem>>, vector<16xf32>,
      %get3A_422 = vector.shape_cast %get3A_421 : vector<16xf32> to vector<16xf32>
      %add3A_423 = arith.addf %get3A_419, %get3A_422 : vector<16xf32>
      %swap3A_424 = arith.constant 112 : index
      %swap3A_425 = tpu.vector_load %arg8[%swap3A_424] {strides = array<i32>} : memref<128xf32, #tpu.memory_space<vmem>>, vector<16xf32>,
      %swap3A_426 = vector.shape_cast %swap3A_425 : vector<16xf32> to vector<16xf32>
      %swap3A_427 = vector.shape_cast %add3A_423 : vector<16xf32> to vector<16xf32>
      tpu.vector_store %arg8[%swap3A_424], %swap3A_427 {strides = array<i32>} : memref<128xf32, #tpu.memory_space<vmem>>, vector<16xf32>,
      %get3A_428 = arith.constant 0 : index
      %get3A_429 = tpu.vector_load %arg9[%get3A_428] {strides = array<i32>} : memref<128xf32, #tpu.memory_space<vmem>>, vector<16xf32>,
      %get3A_430 = vector.shape_cast %get3A_429 : vector<16xf32> to vector<16xf32>
      %get3A_431 = arith.constant 0 : index
      %get3A_432 = tpu.vector_load %arg15[%get3A_431] {strides = array<i32>} : memref<128xf32, #tpu.memory_space<vmem>>, vector<16xf32>,
      %get3A_433 = vector.shape_cast %get3A_432 : vector<16xf32> to vector<16xf32>
      %add3A_434 = arith.addf %get3A_430, %get3A_433 : vector<16xf32>
      %swap3A_435 = arith.constant 0 : index
      %swap3A_436 = tpu.vector_load %arg9[%swap3A_435] {strides = array<i32>} : memref<128xf32, #tpu.memory_space<vmem>>, vector<16xf32>,
      %swap3A_437 = vector.shape_cast %swap3A_436 : vector<16xf32> to vector<16xf32>
      %swap3A_438 = vector.shape_cast %add3A_434 : vector<16xf32> to vector<16xf32>
      tpu.vector_store %arg9[%swap3A_435], %swap3A_438 {strides = array<i32>} : memref<128xf32, #tpu.memory_space<vmem>>, vector<16xf32>,
      %get3A_439 = arith.constant 16 : index
      %get3A_440 = tpu.vector_load %arg9[%get3A_439] {strides = array<i32>} : memref<128xf32, #tpu.memory_space<vmem>>, vector<16xf32>,
      %get3A_441 = vector.shape_cast %get3A_440 : vector<16xf32> to vector<16xf32>
      %get3A_442 = arith.constant 16 : index
      %get3A_443 = tpu.vector_load %arg15[%get3A_442] {strides = array<i32>} : memref<128xf32, #tpu.memory_space<vmem>>, vector<16xf32>,
      %get3A_444 = vector.shape_cast %get3A_443 : vector<16xf32> to vector<16xf32>
      %add3A_445 = arith.addf %get3A_441, %get3A_444 : vector<16xf32>
      %swap3A_446 = arith.constant 16 : index
      %swap3A_447 = tpu.vector_load %arg9[%swap3A_446] {strides = array<i32>} : memref<128xf32, #tpu.memory_space<vmem>>, vector<16xf32>,
      %swap3A_448 = vector.shape_cast %swap3A_447 : vector<16xf32> to vector<16xf32>
      %swap3A_449 = vector.shape_cast %add3A_445 : vector<16xf32> to vector<16xf32>
      tpu.vector_store %arg9[%swap3A_446], %swap3A_449 {strides = array<i32>} : memref<128xf32, #tpu.memory_space<vmem>>, vector<16xf32>,
      %get3A_450 = arith.constant 32 : index
      %get3A_451 = tpu.vector_load %arg9[%get3A_450] {strides = array<i32>} : memref<128xf32, #tpu.memory_space<vmem>>, vector<16xf32>,
      %get3A_452 = vector.shape_cast %get3A_451 : vector<16xf32> to vector<16xf32>
      %get3A_453 = arith.constant 32 : index
      %get3A_454 = tpu.vector_load %arg15[%get3A_453] {strides = array<i32>} : memref<128xf32, #tpu.memory_space<vmem>>, vector<16xf32>,
      %get3A_455 = vector.shape_cast %get3A_454 : vector<16xf32> to vector<16xf32>
      %add3A_456 = arith.addf %get3A_452, %get3A_455 : vector<16xf32>
      %swap3A_457 = arith.constant 32 : index
      %swap3A_458 = tpu.vector_load %arg9[%swap3A_457] {strides = array<i32>} : memref<128xf32, #tpu.memory_space<vmem>>, vector<16xf32>,
      %swap3A_459 = vector.shape_cast %swap3A_458 : vector<16xf32> to vector<16xf32>
      %swap3A_460 = vector.shape_cast %add3A_456 : vector<16xf32> to vector<16xf32>
      tpu.vector_store %arg9[%swap3A_457], %swap3A_460 {strides = array<i32>} : memref<128xf32, #tpu.memory_space<vmem>>, vector<16xf32>,
      %get3A_461 = arith.constant 48 : index
      %get3A_462 = tpu.vector_load %arg9[%get3A_461] {strides = array<i32>} : memref<128xf32, #tpu.memory_space<vmem>>, vector<16xf32>,
      %get3A_463 = vector.shape_cast %get3A_462 : vector<16xf32> to vector<16xf32>
      %get3A_464 = arith.constant 48 : index
      %get3A_465 = tpu.vector_load %arg15[%get3A_464] {strides = array<i32>} : memref<128xf32, #tpu.memory_space<vmem>>, vector<16xf32>,
      %get3A_466 = vector.shape_cast %get3A_465 : vector<16xf32> to vector<16xf32>
      %add3A_467 = arith.addf %get3A_463, %get3A_466 : vector<16xf32>
      %swap3A_468 = arith.constant 48 : index
      %swap3A_469 = tpu.vector_load %arg9[%swap3A_468] {strides = array<i32>} : memref<128xf32, #tpu.memory_space<vmem>>, vector<16xf32>,
      %swap3A_470 = vector.shape_cast %swap3A_469 : vector<16xf32> to vector<16xf32>
      %swap3A_471 = vector.shape_cast %add3A_467 : vector<16xf32> to vector<16xf32>
      tpu.vector_store %arg9[%swap3A_468], %swap3A_471 {strides = array<i32>} : memref<128xf32, #tpu.memory_space<vmem>>, vector<16xf32>,
      %get3A_472 = arith.constant 64 : index
      %get3A_473 = tpu.vector_load %arg9[%get3A_472] {strides = array<i32>} : memref<128xf32, #tpu.memory_space<vmem>>, vector<16xf32>,
      %get3A_474 = vector.shape_cast %get3A_473 : vector<16xf32> to vector<16xf32>
      %get3A_475 = arith.constant 64 : index
      %get3A_476 = tpu.vector_load %arg15[%get3A_475] {strides = array<i32>} : memref<128xf32, #tpu.memory_space<vmem>>, vector<16xf32>,
      %get3A_477 = vector.shape_cast %get3A_476 : vector<16xf32> to vector<16xf32>
      %add3A_478 = arith.addf %get3A_474, %get3A_477 : vector<16xf32>
      %swap3A_479 = arith.constant 64 : index
      %swap3A_480 = tpu.vector_load %arg9[%swap3A_479] {strides = array<i32>} : memref<128xf32, #tpu.memory_space<vmem>>, vector<16xf32>,
      %swap3A_481 = vector.shape_cast %swap3A_480 : vector<16xf32> to vector<16xf32>
      %swap3A_482 = vector.shape_cast %add3A_478 : vector<16xf32> to vector<16xf32>
      tpu.vector_store %arg9[%swap3A_479], %swap3A_482 {strides = array<i32>} : memref<128xf32, #tpu.memory_space<vmem>>, vector<16xf32>,
      %get3A_483 = arith.constant 80 : index
      %get3A_484 = tpu.vector_load %arg9[%get3A_483] {strides = array<i32>} : memref<128xf32, #tpu.memory_space<vmem>>, vector<16xf32>,
      %get3A_485 = vector.shape_cast %get3A_484 : vector<16xf32> to vector<16xf32>
      %get3A_486 = arith.constant 80 : index
      %get3A_487 = tpu.vector_load %arg15[%get3A_486] {strides = array<i32>} : memref<128xf32, #tpu.memory_space<vmem>>, vector<16xf32>,
      %get3A_488 = vector.shape_cast %get3A_487 : vector<16xf32> to vector<16xf32>
      %add3A_489 = arith.addf %get3A_485, %get3A_488 : vector<16xf32>
      %swap3A_490 = arith.constant 80 : index
      %swap3A_491 = tpu.vector_load %arg9[%swap3A_490] {strides = array<i32>} : memref<128xf32, #tpu.memory_space<vmem>>, vector<16xf32>,
      %swap3A_492 = vector.shape_cast %swap3A_491 : vector<16xf32> to vector<16xf32>
      %swap3A_493 = vector.shape_cast %add3A_489 : vector<16xf32> to vector<16xf32>
      tpu.vector_store %arg9[%swap3A_490], %swap3A_493 {strides = array<i32>} : memref<128xf32, #tpu.memory_space<vmem>>, vector<16xf32>,
      %get3A_494 = arith.constant 96 : index
      %get3A_495 = tpu.vector_load %arg9[%get3A_494] {strides = array<i32>} : memref<128xf32, #tpu.memory_space<vmem>>, vector<16xf32>,
      %get3A_496 = vector.shape_cast %get3A_495 : vector<16xf32> to vector<16xf32>
      %get3A_497 = arith.constant 96 : index
      %get3A_498 = tpu.vector_load %arg15[%get3A_497] {strides = array<i32>} : memref<128xf32, #tpu.memory_space<vmem>>, vector<16xf32>,
      %get3A_499 = vector.shape_cast %get3A_498 : vector<16xf32> to vector<16xf32>
      %add3A_500 = arith.addf %get3A_496, %get3A_499 : vector<16xf32>
      %swap3A_501 = arith.constant 96 : index
      %swap3A_502 = tpu.vector_load %arg9[%swap3A_501] {strides = array<i32>} : memref<128xf32, #tpu.memory_space<vmem>>, vector<16xf32>,
      %swap3A_503 = vector.shape_cast %swap3A_502 : vector<16xf32> to vector<16xf32>
      %swap3A_504 = vector.shape_cast %add3A_500 : vector<16xf32> to vector<16xf32>
      tpu.vector_store %arg9[%swap3A_501], %swap3A_504 {strides = array<i32>} : memref<128xf32, #tpu.memory_space<vmem>>, vector<16xf32>,
      %get3A_505 = arith.constant 112 : index
      %get3A_506 = tpu.vector_load %arg9[%get3A_505] {strides = array<i32>} : memref<128xf32, #tpu.memory_space<vmem>>, vector<16xf32>,
      %get3A_507 = vector.shape_cast %get3A_506 : vector<16xf32> to vector<16xf32>
      %get3A_508 = arith.constant 112 : index
      %get3A_509 = tpu.vector_load %arg15[%get3A_508] {strides = array<i32>} : memref<128xf32, #tpu.memory_space<vmem>>, vector<16xf32>,
      %get3A_510 = vector.shape_cast %get3A_509 : vector<16xf32> to vector<16xf32>
      %add3A_511 = arith.addf %get3A_507, %get3A_510 : vector<16xf32>
      %swap3A_512 = arith.constant 112 : index
      %swap3A_513 = tpu.vector_load %arg9[%swap3A_512] {strides = array<i32>} : memref<128xf32, #tpu.memory_space<vmem>>, vector<16xf32>,
      %swap3A_514 = vector.shape_cast %swap3A_513 : vector<16xf32> to vector<16xf32>
      %swap3A_515 = vector.shape_cast %add3A_511 : vector<16xf32> to vector<16xf32>
      tpu.vector_store %arg9[%swap3A_512], %swap3A_515 {strides = array<i32>} : memref<128xf32, #tpu.memory_space<vmem>>, vector<16xf32>,
      %mul3A_516 = arith.constant 4 : i32
      %mul3A_517 = arith.muli %scan3A_118, %mul3A_516 : i32
      %add3A_518 = arith.constant 2 : i32
      %add3A_519 = arith.addi %mul3A_517, %add3A_518 : i32
      %add3A_520 = arith.constant 4 : i32
      %add3A_521 = arith.addi %add3A_519, %add3A_520 : i32
      %sub3A_522 = arith.constant 1 : i32
      %sub3A_523 = arith.subi %add3A_521, %sub3A_522 : i32
      %lt3A_524 = arith.constant 200 : i32
      %lt3A_525 = arith.cmpi slt, %sub3A_523, %lt3A_524 : i32
      %convert_element_type3A_526 = arith.extui %lt3A_525 : i1 to i32
      %cond3A_527 = arith.constant 0 : i32
      %cond3A_528 = arith.cmpi ne, %convert_element_type3A_526, %cond3A_527 : i32
      scf.if %cond3A_528 {
        %add3A_918 = arith.constant 4 : i32
        %add3A_919 = arith.addi %add3A_519, %add3A_918 : i32
        %sub3A_920 = arith.constant 1 : i32
        %sub3A_921 = arith.subi %add3A_919, %sub3A_920 : i32
        %dma_start3A_922 = arith.constant 0 : i32
        %dma_start3A_923 = tpu.memref_slice %arg7[%sub3A_921, %dma_start3A_922] : memref<200x128xi32, #tpu.memory_space<vmem>> -> memref<1x128xi32, #tpu.memory_space<vmem>>
        %dma_start3A_924 = tpu.memref_squeeze %dma_start3A_923 : memref<1x128xi32, #tpu.memory_space<vmem>> -> memref<128xi32, #tpu.memory_space<vmem>>
        %dma_start3A_925 = arith.constant 0 : i32
        %dma_start3A_926 = tpu.memref_slice %arg2[%dma_start3A_925] : memref<1000000xf32, #tpu.memory_space<hbm>> -> memref<1000000xf32, #tpu.memory_space<hbm>>
        tpu.enqueue_indirect_dma source(%dma_start3A_926 : memref<1000000xf32, #tpu.memory_space<hbm>>) target(%arg11 : memref<128xf32, #tpu.memory_space<vmem>>) offsets(%dma_start3A_924 : memref<128xi32, #tpu.memory_space<vmem>>) semaphore(%arg20 : memref<!tpu.dma_semaphore, #tpu.memory_space<semaphore_mem>>)
        %dma_start3A_927 = arith.constant 0 : i32
        %dma_start3A_928 = tpu.memref_slice %arg7[%sub3A_921, %dma_start3A_927] : memref<200x128xi32, #tpu.memory_space<vmem>> -> memref<1x128xi32, #tpu.memory_space<vmem>>
        %dma_start3A_929 = tpu.memref_squeeze %dma_start3A_928 : memref<1x128xi32, #tpu.memory_space<vmem>> -> memref<128xi32, #tpu.memory_space<vmem>>
        %dma_start3A_930 = arith.constant 0 : i32
        %dma_start3A_931 = tpu.memref_slice %arg3[%dma_start3A_930] : memref<1000000xf32, #tpu.memory_space<hbm>> -> memref<1000000xf32, #tpu.memory_space<hbm>>
        tpu.enqueue_indirect_dma source(%dma_start3A_931 : memref<1000000xf32, #tpu.memory_space<hbm>>) target(%arg15 : memref<128xf32, #tpu.memory_space<vmem>>) offsets(%dma_start3A_929 : memref<128xi32, #tpu.memory_space<vmem>>) semaphore(%arg24 : memref<!tpu.dma_semaphore, #tpu.memory_space<semaphore_mem>>)
      } else {
      }
      %dma_wait3A_529 = arith.constant 0 : i32
      %dma_wait3A_530 = arith.constant 0 : i32
      %dma_wait3A_531 = tpu.memref_slice %arg7[%dma_wait3A_529, %dma_wait3A_530] : memref<200x128xi32, #tpu.memory_space<vmem>> -> memref<1x128xi32, #tpu.memory_space<vmem>>
      %dma_wait3A_532 = tpu.memref_squeeze %dma_wait3A_531 : memref<1x128xi32, #tpu.memory_space<vmem>> -> memref<128xi32, #tpu.memory_space<vmem>>
      %dma_wait3A_533 = arith.constant 0 : i32
      %dma_wait3A_534 = tpu.memref_slice %arg2[%dma_wait3A_533] : memref<1000000xf32, #tpu.memory_space<hbm>> -> memref<1000000xf32, #tpu.memory_space<hbm>>
      tpu.wait_indirect_dma semaphore(%arg21 : memref<!tpu.dma_semaphore, #tpu.memory_space<semaphore_mem>>) src(%dma_wait3A_534 : memref<1000000xf32, #tpu.memory_space<hbm>>) dst(%arg12 : memref<128xf32, #tpu.memory_space<vmem>>)
      %dma_wait3A_535 = arith.constant 0 : i32
      %dma_wait3A_536 = arith.constant 0 : i32
      %dma_wait3A_537 = tpu.memref_slice %arg7[%dma_wait3A_535, %dma_wait3A_536] : memref<200x128xi32, #tpu.memory_space<vmem>> -> memref<1x128xi32, #tpu.memory_space<vmem>>
      %dma_wait3A_538 = tpu.memref_squeeze %dma_wait3A_537 : memref<1x128xi32, #tpu.memory_space<vmem>> -> memref<128xi32, #tpu.memory_space<vmem>>
      %dma_wait3A_539 = arith.constant 0 : i32
      %dma_wait3A_540 = tpu.memref_slice %arg3[%dma_wait3A_539] : memref<1000000xf32, #tpu.memory_space<hbm>> -> memref<1000000xf32, #tpu.memory_space<hbm>>
      tpu.wait_indirect_dma semaphore(%arg25 : memref<!tpu.dma_semaphore, #tpu.memory_space<semaphore_mem>>) src(%dma_wait3A_540 : memref<1000000xf32, #tpu.memory_space<hbm>>) dst(%arg16 : memref<128xf32, #tpu.memory_space<vmem>>)
      %get3A_541 = arith.constant 0 : index
      %get3A_542 = tpu.vector_load %arg8[%get3A_541] {strides = array<i32>} : memref<128xf32, #tpu.memory_space<vmem>>, vector<16xf32>,
      %get3A_543 = vector.shape_cast %get3A_542 : vector<16xf32> to vector<16xf32>
      %get3A_544 = arith.constant 0 : index
      %get3A_545 = tpu.vector_load %arg12[%get3A_544] {strides = array<i32>} : memref<128xf32, #tpu.memory_space<vmem>>, vector<16xf32>,
      %get3A_546 = vector.shape_cast %get3A_545 : vector<16xf32> to vector<16xf32>
      %add3A_547 = arith.addf %get3A_543, %get3A_546 : vector<16xf32>
      %swap3A_548 = arith.constant 0 : index
      %swap3A_549 = tpu.vector_load %arg8[%swap3A_548] {strides = array<i32>} : memref<128xf32, #tpu.memory_space<vmem>>, vector<16xf32>,
      %swap3A_550 = vector.shape_cast %swap3A_549 : vector<16xf32> to vector<16xf32>
      %swap3A_551 = vector.shape_cast %add3A_547 : vector<16xf32> to vector<16xf32>
      tpu.vector_store %arg8[%swap3A_548], %swap3A_551 {strides = array<i32>} : memref<128xf32, #tpu.memory_space<vmem>>, vector<16xf32>,
      %get3A_552 = arith.constant 16 : index
      %get3A_553 = tpu.vector_load %arg8[%get3A_552] {strides = array<i32>} : memref<128xf32, #tpu.memory_space<vmem>>, vector<16xf32>,
      %get3A_554 = vector.shape_cast %get3A_553 : vector<16xf32> to vector<16xf32>
      %get3A_555 = arith.constant 16 : index
      %get3A_556 = tpu.vector_load %arg12[%get3A_555] {strides = array<i32>} : memref<128xf32, #tpu.memory_space<vmem>>, vector<16xf32>,
      %get3A_557 = vector.shape_cast %get3A_556 : vector<16xf32> to vector<16xf32>
      %add3A_558 = arith.addf %get3A_554, %get3A_557 : vector<16xf32>
      %swap3A_559 = arith.constant 16 : index
      %swap3A_560 = tpu.vector_load %arg8[%swap3A_559] {strides = array<i32>} : memref<128xf32, #tpu.memory_space<vmem>>, vector<16xf32>,
      %swap3A_561 = vector.shape_cast %swap3A_560 : vector<16xf32> to vector<16xf32>
      %swap3A_562 = vector.shape_cast %add3A_558 : vector<16xf32> to vector<16xf32>
      tpu.vector_store %arg8[%swap3A_559], %swap3A_562 {strides = array<i32>} : memref<128xf32, #tpu.memory_space<vmem>>, vector<16xf32>,
      %get3A_563 = arith.constant 32 : index
      %get3A_564 = tpu.vector_load %arg8[%get3A_563] {strides = array<i32>} : memref<128xf32, #tpu.memory_space<vmem>>, vector<16xf32>,
      %get3A_565 = vector.shape_cast %get3A_564 : vector<16xf32> to vector<16xf32>
      %get3A_566 = arith.constant 32 : index
      %get3A_567 = tpu.vector_load %arg12[%get3A_566] {strides = array<i32>} : memref<128xf32, #tpu.memory_space<vmem>>, vector<16xf32>,
      %get3A_568 = vector.shape_cast %get3A_567 : vector<16xf32> to vector<16xf32>
      %add3A_569 = arith.addf %get3A_565, %get3A_568 : vector<16xf32>
      %swap3A_570 = arith.constant 32 : index
      %swap3A_571 = tpu.vector_load %arg8[%swap3A_570] {strides = array<i32>} : memref<128xf32, #tpu.memory_space<vmem>>, vector<16xf32>,
      %swap3A_572 = vector.shape_cast %swap3A_571 : vector<16xf32> to vector<16xf32>
      %swap3A_573 = vector.shape_cast %add3A_569 : vector<16xf32> to vector<16xf32>
      tpu.vector_store %arg8[%swap3A_570], %swap3A_573 {strides = array<i32>} : memref<128xf32, #tpu.memory_space<vmem>>, vector<16xf32>,
      %get3A_574 = arith.constant 48 : index
      %get3A_575 = tpu.vector_load %arg8[%get3A_574] {strides = array<i32>} : memref<128xf32, #tpu.memory_space<vmem>>, vector<16xf32>,
      %get3A_576 = vector.shape_cast %get3A_575 : vector<16xf32> to vector<16xf32>
      %get3A_577 = arith.constant 48 : index
      %get3A_578 = tpu.vector_load %arg12[%get3A_577] {strides = array<i32>} : memref<128xf32, #tpu.memory_space<vmem>>, vector<16xf32>,
      %get3A_579 = vector.shape_cast %get3A_578 : vector<16xf32> to vector<16xf32>
      %add3A_580 = arith.addf %get3A_576, %get3A_579 : vector<16xf32>
      %swap3A_581 = arith.constant 48 : index
      %swap3A_582 = tpu.vector_load %arg8[%swap3A_581] {strides = array<i32>} : memref<128xf32, #tpu.memory_space<vmem>>, vector<16xf32>,
      %swap3A_583 = vector.shape_cast %swap3A_582 : vector<16xf32> to vector<16xf32>
      %swap3A_584 = vector.shape_cast %add3A_580 : vector<16xf32> to vector<16xf32>
      tpu.vector_store %arg8[%swap3A_581], %swap3A_584 {strides = array<i32>} : memref<128xf32, #tpu.memory_space<vmem>>, vector<16xf32>,
      %get3A_585 = arith.constant 64 : index
      %get3A_586 = tpu.vector_load %arg8[%get3A_585] {strides = array<i32>} : memref<128xf32, #tpu.memory_space<vmem>>, vector<16xf32>,
      %get3A_587 = vector.shape_cast %get3A_586 : vector<16xf32> to vector<16xf32>
      %get3A_588 = arith.constant 64 : index
      %get3A_589 = tpu.vector_load %arg12[%get3A_588] {strides = array<i32>} : memref<128xf32, #tpu.memory_space<vmem>>, vector<16xf32>,
      %get3A_590 = vector.shape_cast %get3A_589 : vector<16xf32> to vector<16xf32>
      %add3A_591 = arith.addf %get3A_587, %get3A_590 : vector<16xf32>
      %swap3A_592 = arith.constant 64 : index
      %swap3A_593 = tpu.vector_load %arg8[%swap3A_592] {strides = array<i32>} : memref<128xf32, #tpu.memory_space<vmem>>, vector<16xf32>,
      %swap3A_594 = vector.shape_cast %swap3A_593 : vector<16xf32> to vector<16xf32>
      %swap3A_595 = vector.shape_cast %add3A_591 : vector<16xf32> to vector<16xf32>
      tpu.vector_store %arg8[%swap3A_592], %swap3A_595 {strides = array<i32>} : memref<128xf32, #tpu.memory_space<vmem>>, vector<16xf32>,
      %get3A_596 = arith.constant 80 : index
      %get3A_597 = tpu.vector_load %arg8[%get3A_596] {strides = array<i32>} : memref<128xf32, #tpu.memory_space<vmem>>, vector<16xf32>,
      %get3A_598 = vector.shape_cast %get3A_597 : vector<16xf32> to vector<16xf32>
      %get3A_599 = arith.constant 80 : index
      %get3A_600 = tpu.vector_load %arg12[%get3A_599] {strides = array<i32>} : memref<128xf32, #tpu.memory_space<vmem>>, vector<16xf32>,
      %get3A_601 = vector.shape_cast %get3A_600 : vector<16xf32> to vector<16xf32>
      %add3A_602 = arith.addf %get3A_598, %get3A_601 : vector<16xf32>
      %swap3A_603 = arith.constant 80 : index
      %swap3A_604 = tpu.vector_load %arg8[%swap3A_603] {strides = array<i32>} : memref<128xf32, #tpu.memory_space<vmem>>, vector<16xf32>,
      %swap3A_605 = vector.shape_cast %swap3A_604 : vector<16xf32> to vector<16xf32>
      %swap3A_606 = vector.shape_cast %add3A_602 : vector<16xf32> to vector<16xf32>
      tpu.vector_store %arg8[%swap3A_603], %swap3A_606 {strides = array<i32>} : memref<128xf32, #tpu.memory_space<vmem>>, vector<16xf32>,
      %get3A_607 = arith.constant 96 : index
      %get3A_608 = tpu.vector_load %arg8[%get3A_607] {strides = array<i32>} : memref<128xf32, #tpu.memory_space<vmem>>, vector<16xf32>,
      %get3A_609 = vector.shape_cast %get3A_608 : vector<16xf32> to vector<16xf32>
      %get3A_610 = arith.constant 96 : index
      %get3A_611 = tpu.vector_load %arg12[%get3A_610] {strides = array<i32>} : memref<128xf32, #tpu.memory_space<vmem>>, vector<16xf32>,
      %get3A_612 = vector.shape_cast %get3A_611 : vector<16xf32> to vector<16xf32>
      %add3A_613 = arith.addf %get3A_609, %get3A_612 : vector<16xf32>
      %swap3A_614 = arith.constant 96 : index
      %swap3A_615 = tpu.vector_load %arg8[%swap3A_614] {strides = array<i32>} : memref<128xf32, #tpu.memory_space<vmem>>, vector<16xf32>,
      %swap3A_616 = vector.shape_cast %swap3A_615 : vector<16xf32> to vector<16xf32>
      %swap3A_617 = vector.shape_cast %add3A_613 : vector<16xf32> to vector<16xf32>
      tpu.vector_store %arg8[%swap3A_614], %swap3A_617 {strides = array<i32>} : memref<128xf32, #tpu.memory_space<vmem>>, vector<16xf32>,
      %get3A_618 = arith.constant 112 : index
      %get3A_619 = tpu.vector_load %arg8[%get3A_618] {strides = array<i32>} : memref<128xf32, #tpu.memory_space<vmem>>, vector<16xf32>,
      %get3A_620 = vector.shape_cast %get3A_619 : vector<16xf32> to vector<16xf32>
      %get3A_621 = arith.constant 112 : index
      %get3A_622 = tpu.vector_load %arg12[%get3A_621] {strides = array<i32>} : memref<128xf32, #tpu.memory_space<vmem>>, vector<16xf32>,
      %get3A_623 = vector.shape_cast %get3A_622 : vector<16xf32> to vector<16xf32>
      %add3A_624 = arith.addf %get3A_620, %get3A_623 : vector<16xf32>
      %swap3A_625 = arith.constant 112 : index
      %swap3A_626 = tpu.vector_load %arg8[%swap3A_625] {strides = array<i32>} : memref<128xf32, #tpu.memory_space<vmem>>, vector<16xf32>,
      %swap3A_627 = vector.shape_cast %swap3A_626 : vector<16xf32> to vector<16xf32>
      %swap3A_628 = vector.shape_cast %add3A_624 : vector<16xf32> to vector<16xf32>
      tpu.vector_store %arg8[%swap3A_625], %swap3A_628 {strides = array<i32>} : memref<128xf32, #tpu.memory_space<vmem>>, vector<16xf32>,
      %get3A_629 = arith.constant 0 : index
      %get3A_630 = tpu.vector_load %arg9[%get3A_629] {strides = array<i32>} : memref<128xf32, #tpu.memory_space<vmem>>, vector<16xf32>,
      %get3A_631 = vector.shape_cast %get3A_630 : vector<16xf32> to vector<16xf32>
      %get3A_632 = arith.constant 0 : index
      %get3A_633 = tpu.vector_load %arg16[%get3A_632] {strides = array<i32>} : memref<128xf32, #tpu.memory_space<vmem>>, vector<16xf32>,
      %get3A_634 = vector.shape_cast %get3A_633 : vector<16xf32> to vector<16xf32>
      %add3A_635 = arith.addf %get3A_631, %get3A_634 : vector<16xf32>
      %swap3A_636 = arith.constant 0 : index
      %swap3A_637 = tpu.vector_load %arg9[%swap3A_636] {strides = array<i32>} : memref<128xf32, #tpu.memory_space<vmem>>, vector<16xf32>,
      %swap3A_638 = vector.shape_cast %swap3A_637 : vector<16xf32> to vector<16xf32>
      %swap3A_639 = vector.shape_cast %add3A_635 : vector<16xf32> to vector<16xf32>
      tpu.vector_store %arg9[%swap3A_636], %swap3A_639 {strides = array<i32>} : memref<128xf32, #tpu.memory_space<vmem>>, vector<16xf32>,
      %get3A_640 = arith.constant 16 : index
      %get3A_641 = tpu.vector_load %arg9[%get3A_640] {strides = array<i32>} : memref<128xf32, #tpu.memory_space<vmem>>, vector<16xf32>,
      %get3A_642 = vector.shape_cast %get3A_641 : vector<16xf32> to vector<16xf32>
      %get3A_643 = arith.constant 16 : index
      %get3A_644 = tpu.vector_load %arg16[%get3A_643] {strides = array<i32>} : memref<128xf32, #tpu.memory_space<vmem>>, vector<16xf32>,
      %get3A_645 = vector.shape_cast %get3A_644 : vector<16xf32> to vector<16xf32>
      %add3A_646 = arith.addf %get3A_642, %get3A_645 : vector<16xf32>
      %swap3A_647 = arith.constant 16 : index
      %swap3A_648 = tpu.vector_load %arg9[%swap3A_647] {strides = array<i32>} : memref<128xf32, #tpu.memory_space<vmem>>, vector<16xf32>,
      %swap3A_649 = vector.shape_cast %swap3A_648 : vector<16xf32> to vector<16xf32>
      %swap3A_650 = vector.shape_cast %add3A_646 : vector<16xf32> to vector<16xf32>
      tpu.vector_store %arg9[%swap3A_647], %swap3A_650 {strides = array<i32>} : memref<128xf32, #tpu.memory_space<vmem>>, vector<16xf32>,
      %get3A_651 = arith.constant 32 : index
      %get3A_652 = tpu.vector_load %arg9[%get3A_651] {strides = array<i32>} : memref<128xf32, #tpu.memory_space<vmem>>, vector<16xf32>,
      %get3A_653 = vector.shape_cast %get3A_652 : vector<16xf32> to vector<16xf32>
      %get3A_654 = arith.constant 32 : index
      %get3A_655 = tpu.vector_load %arg16[%get3A_654] {strides = array<i32>} : memref<128xf32, #tpu.memory_space<vmem>>, vector<16xf32>,
      %get3A_656 = vector.shape_cast %get3A_655 : vector<16xf32> to vector<16xf32>
      %add3A_657 = arith.addf %get3A_653, %get3A_656 : vector<16xf32>
      %swap3A_658 = arith.constant 32 : index
      %swap3A_659 = tpu.vector_load %arg9[%swap3A_658] {strides = array<i32>} : memref<128xf32, #tpu.memory_space<vmem>>, vector<16xf32>,
      %swap3A_660 = vector.shape_cast %swap3A_659 : vector<16xf32> to vector<16xf32>
      %swap3A_661 = vector.shape_cast %add3A_657 : vector<16xf32> to vector<16xf32>
      tpu.vector_store %arg9[%swap3A_658], %swap3A_661 {strides = array<i32>} : memref<128xf32, #tpu.memory_space<vmem>>, vector<16xf32>,
      %get3A_662 = arith.constant 48 : index
      %get3A_663 = tpu.vector_load %arg9[%get3A_662] {strides = array<i32>} : memref<128xf32, #tpu.memory_space<vmem>>, vector<16xf32>,
      %get3A_664 = vector.shape_cast %get3A_663 : vector<16xf32> to vector<16xf32>
      %get3A_665 = arith.constant 48 : index
      %get3A_666 = tpu.vector_load %arg16[%get3A_665] {strides = array<i32>} : memref<128xf32, #tpu.memory_space<vmem>>, vector<16xf32>,
      %get3A_667 = vector.shape_cast %get3A_666 : vector<16xf32> to vector<16xf32>
      %add3A_668 = arith.addf %get3A_664, %get3A_667 : vector<16xf32>
      %swap3A_669 = arith.constant 48 : index
      %swap3A_670 = tpu.vector_load %arg9[%swap3A_669] {strides = array<i32>} : memref<128xf32, #tpu.memory_space<vmem>>, vector<16xf32>,
      %swap3A_671 = vector.shape_cast %swap3A_670 : vector<16xf32> to vector<16xf32>
      %swap3A_672 = vector.shape_cast %add3A_668 : vector<16xf32> to vector<16xf32>
      tpu.vector_store %arg9[%swap3A_669], %swap3A_672 {strides = array<i32>} : memref<128xf32, #tpu.memory_space<vmem>>, vector<16xf32>,
      %get3A_673 = arith.constant 64 : index
      %get3A_674 = tpu.vector_load %arg9[%get3A_673] {strides = array<i32>} : memref<128xf32, #tpu.memory_space<vmem>>, vector<16xf32>,
      %get3A_675 = vector.shape_cast %get3A_674 : vector<16xf32> to vector<16xf32>
      %get3A_676 = arith.constant 64 : index
      %get3A_677 = tpu.vector_load %arg16[%get3A_676] {strides = array<i32>} : memref<128xf32, #tpu.memory_space<vmem>>, vector<16xf32>,
      %get3A_678 = vector.shape_cast %get3A_677 : vector<16xf32> to vector<16xf32>
      %add3A_679 = arith.addf %get3A_675, %get3A_678 : vector<16xf32>
      %swap3A_680 = arith.constant 64 : index
      %swap3A_681 = tpu.vector_load %arg9[%swap3A_680] {strides = array<i32>} : memref<128xf32, #tpu.memory_space<vmem>>, vector<16xf32>,
      %swap3A_682 = vector.shape_cast %swap3A_681 : vector<16xf32> to vector<16xf32>
      %swap3A_683 = vector.shape_cast %add3A_679 : vector<16xf32> to vector<16xf32>
      tpu.vector_store %arg9[%swap3A_680], %swap3A_683 {strides = array<i32>} : memref<128xf32, #tpu.memory_space<vmem>>, vector<16xf32>,
      %get3A_684 = arith.constant 80 : index
      %get3A_685 = tpu.vector_load %arg9[%get3A_684] {strides = array<i32>} : memref<128xf32, #tpu.memory_space<vmem>>, vector<16xf32>,
      %get3A_686 = vector.shape_cast %get3A_685 : vector<16xf32> to vector<16xf32>
      %get3A_687 = arith.constant 80 : index
      %get3A_688 = tpu.vector_load %arg16[%get3A_687] {strides = array<i32>} : memref<128xf32, #tpu.memory_space<vmem>>, vector<16xf32>,
      %get3A_689 = vector.shape_cast %get3A_688 : vector<16xf32> to vector<16xf32>
      %add3A_690 = arith.addf %get3A_686, %get3A_689 : vector<16xf32>
      %swap3A_691 = arith.constant 80 : index
      %swap3A_692 = tpu.vector_load %arg9[%swap3A_691] {strides = array<i32>} : memref<128xf32, #tpu.memory_space<vmem>>, vector<16xf32>,
      %swap3A_693 = vector.shape_cast %swap3A_692 : vector<16xf32> to vector<16xf32>
      %swap3A_694 = vector.shape_cast %add3A_690 : vector<16xf32> to vector<16xf32>
      tpu.vector_store %arg9[%swap3A_691], %swap3A_694 {strides = array<i32>} : memref<128xf32, #tpu.memory_space<vmem>>, vector<16xf32>,
      %get3A_695 = arith.constant 96 : index
      %get3A_696 = tpu.vector_load %arg9[%get3A_695] {strides = array<i32>} : memref<128xf32, #tpu.memory_space<vmem>>, vector<16xf32>,
      %get3A_697 = vector.shape_cast %get3A_696 : vector<16xf32> to vector<16xf32>
      %get3A_698 = arith.constant 96 : index
      %get3A_699 = tpu.vector_load %arg16[%get3A_698] {strides = array<i32>} : memref<128xf32, #tpu.memory_space<vmem>>, vector<16xf32>,
      %get3A_700 = vector.shape_cast %get3A_699 : vector<16xf32> to vector<16xf32>
      %add3A_701 = arith.addf %get3A_697, %get3A_700 : vector<16xf32>
      %swap3A_702 = arith.constant 96 : index
      %swap3A_703 = tpu.vector_load %arg9[%swap3A_702] {strides = array<i32>} : memref<128xf32, #tpu.memory_space<vmem>>, vector<16xf32>,
      %swap3A_704 = vector.shape_cast %swap3A_703 : vector<16xf32> to vector<16xf32>
      %swap3A_705 = vector.shape_cast %add3A_701 : vector<16xf32> to vector<16xf32>
      tpu.vector_store %arg9[%swap3A_702], %swap3A_705 {strides = array<i32>} : memref<128xf32, #tpu.memory_space<vmem>>, vector<16xf32>,
      %get3A_706 = arith.constant 112 : index
      %get3A_707 = tpu.vector_load %arg9[%get3A_706] {strides = array<i32>} : memref<128xf32, #tpu.memory_space<vmem>>, vector<16xf32>,
      %get3A_708 = vector.shape_cast %get3A_707 : vector<16xf32> to vector<16xf32>
      %get3A_709 = arith.constant 112 : index
      %get3A_710 = tpu.vector_load %arg16[%get3A_709] {strides = array<i32>} : memref<128xf32, #tpu.memory_space<vmem>>, vector<16xf32>,
      %get3A_711 = vector.shape_cast %get3A_710 : vector<16xf32> to vector<16xf32>
      %add3A_712 = arith.addf %get3A_708, %get3A_711 : vector<16xf32>
      %swap3A_713 = arith.constant 112 : index
      %swap3A_714 = tpu.vector_load %arg9[%swap3A_713] {strides = array<i32>} : memref<128xf32, #tpu.memory_space<vmem>>, vector<16xf32>,
      %swap3A_715 = vector.shape_cast %swap3A_714 : vector<16xf32> to vector<16xf32>
      %swap3A_716 = vector.shape_cast %add3A_712 : vector<16xf32> to vector<16xf32>
      tpu.vector_store %arg9[%swap3A_713], %swap3A_716 {strides = array<i32>} : memref<128xf32, #tpu.memory_space<vmem>>, vector<16xf32>,
      %mul3A_717 = arith.constant 4 : i32
      %mul3A_718 = arith.muli %scan3A_118, %mul3A_717 : i32
      %add3A_719 = arith.constant 3 : i32
      %add3A_720 = arith.addi %mul3A_718, %add3A_719 : i32
      %add3A_721 = arith.constant 4 : i32
      %add3A_722 = arith.addi %add3A_720, %add3A_721 : i32
      %sub3A_723 = arith.constant 1 : i32
      %sub3A_724 = arith.subi %add3A_722, %sub3A_723 : i32
      %lt3A_725 = arith.constant 200 : i32
      %lt3A_726 = arith.cmpi slt, %sub3A_724, %lt3A_725 : i32
      %convert_element_type3A_727 = arith.extui %lt3A_726 : i1 to i32
      %cond3A_728 = arith.constant 0 : i32
      %cond3A_729 = arith.cmpi ne, %convert_element_type3A_727, %cond3A_728 : i32
      scf.if %cond3A_729 {
        %add3A_918 = arith.constant 4 : i32
        %add3A_919 = arith.addi %add3A_720, %add3A_918 : i32
        %sub3A_920 = arith.constant 1 : i32
        %sub3A_921 = arith.subi %add3A_919, %sub3A_920 : i32
        %dma_start3A_922 = arith.constant 0 : i32
        %dma_start3A_923 = tpu.memref_slice %arg7[%sub3A_921, %dma_start3A_922] : memref<200x128xi32, #tpu.memory_space<vmem>> -> memref<1x128xi32, #tpu.memory_space<vmem>>
        %dma_start3A_924 = tpu.memref_squeeze %dma_start3A_923 : memref<1x128xi32, #tpu.memory_space<vmem>> -> memref<128xi32, #tpu.memory_space<vmem>>
        %dma_start3A_925 = arith.constant 0 : i32
        %dma_start3A_926 = tpu.memref_slice %arg2[%dma_start3A_925] : memref<1000000xf32, #tpu.memory_space<hbm>> -> memref<1000000xf32, #tpu.memory_space<hbm>>
        tpu.enqueue_indirect_dma source(%dma_start3A_926 : memref<1000000xf32, #tpu.memory_space<hbm>>) target(%arg12 : memref<128xf32, #tpu.memory_space<vmem>>) offsets(%dma_start3A_924 : memref<128xi32, #tpu.memory_space<vmem>>) semaphore(%arg21 : memref<!tpu.dma_semaphore, #tpu.memory_space<semaphore_mem>>)
        %dma_start3A_927 = arith.constant 0 : i32
        %dma_start3A_928 = tpu.memref_slice %arg7[%sub3A_921, %dma_start3A_927] : memref<200x128xi32, #tpu.memory_space<vmem>> -> memref<1x128xi32, #tpu.memory_space<vmem>>
        %dma_start3A_929 = tpu.memref_squeeze %dma_start3A_928 : memref<1x128xi32, #tpu.memory_space<vmem>> -> memref<128xi32, #tpu.memory_space<vmem>>
        %dma_start3A_930 = arith.constant 0 : i32
        %dma_start3A_931 = tpu.memref_slice %arg3[%dma_start3A_930] : memref<1000000xf32, #tpu.memory_space<hbm>> -> memref<1000000xf32, #tpu.memory_space<hbm>>
        tpu.enqueue_indirect_dma source(%dma_start3A_931 : memref<1000000xf32, #tpu.memory_space<hbm>>) target(%arg16 : memref<128xf32, #tpu.memory_space<vmem>>) offsets(%dma_start3A_929 : memref<128xi32, #tpu.memory_space<vmem>>) semaphore(%arg25 : memref<!tpu.dma_semaphore, #tpu.memory_space<semaphore_mem>>)
      } else {
      }
      %dma_wait3A_730 = arith.constant 0 : i32
      %dma_wait3A_731 = arith.constant 0 : i32
      %dma_wait3A_732 = tpu.memref_slice %arg7[%dma_wait3A_730, %dma_wait3A_731] : memref<200x128xi32, #tpu.memory_space<vmem>> -> memref<1x128xi32, #tpu.memory_space<vmem>>
      %dma_wait3A_733 = tpu.memref_squeeze %dma_wait3A_732 : memref<1x128xi32, #tpu.memory_space<vmem>> -> memref<128xi32, #tpu.memory_space<vmem>>
      %dma_wait3A_734 = arith.constant 0 : i32
      %dma_wait3A_735 = tpu.memref_slice %arg2[%dma_wait3A_734] : memref<1000000xf32, #tpu.memory_space<hbm>> -> memref<1000000xf32, #tpu.memory_space<hbm>>
      tpu.wait_indirect_dma semaphore(%arg22 : memref<!tpu.dma_semaphore, #tpu.memory_space<semaphore_mem>>) src(%dma_wait3A_735 : memref<1000000xf32, #tpu.memory_space<hbm>>) dst(%arg13 : memref<128xf32, #tpu.memory_space<vmem>>)
      %dma_wait3A_736 = arith.constant 0 : i32
      %dma_wait3A_737 = arith.constant 0 : i32
      %dma_wait3A_738 = tpu.memref_slice %arg7[%dma_wait3A_736, %dma_wait3A_737] : memref<200x128xi32, #tpu.memory_space<vmem>> -> memref<1x128xi32, #tpu.memory_space<vmem>>
      %dma_wait3A_739 = tpu.memref_squeeze %dma_wait3A_738 : memref<1x128xi32, #tpu.memory_space<vmem>> -> memref<128xi32, #tpu.memory_space<vmem>>
      %dma_wait3A_740 = arith.constant 0 : i32
      %dma_wait3A_741 = tpu.memref_slice %arg3[%dma_wait3A_740] : memref<1000000xf32, #tpu.memory_space<hbm>> -> memref<1000000xf32, #tpu.memory_space<hbm>>
      tpu.wait_indirect_dma semaphore(%arg26 : memref<!tpu.dma_semaphore, #tpu.memory_space<semaphore_mem>>) src(%dma_wait3A_741 : memref<1000000xf32, #tpu.memory_space<hbm>>) dst(%arg17 : memref<128xf32, #tpu.memory_space<vmem>>)
      %get3A_742 = arith.constant 0 : index
      %get3A_743 = tpu.vector_load %arg8[%get3A_742] {strides = array<i32>} : memref<128xf32, #tpu.memory_space<vmem>>, vector<16xf32>,
      %get3A_744 = vector.shape_cast %get3A_743 : vector<16xf32> to vector<16xf32>
      %get3A_745 = arith.constant 0 : index
      %get3A_746 = tpu.vector_load %arg13[%get3A_745] {strides = array<i32>} : memref<128xf32, #tpu.memory_space<vmem>>, vector<16xf32>,
      %get3A_747 = vector.shape_cast %get3A_746 : vector<16xf32> to vector<16xf32>
      %add3A_748 = arith.addf %get3A_744, %get3A_747 : vector<16xf32>
      %swap3A_749 = arith.constant 0 : index
      %swap3A_750 = tpu.vector_load %arg8[%swap3A_749] {strides = array<i32>} : memref<128xf32, #tpu.memory_space<vmem>>, vector<16xf32>,
      %swap3A_751 = vector.shape_cast %swap3A_750 : vector<16xf32> to vector<16xf32>
      %swap3A_752 = vector.shape_cast %add3A_748 : vector<16xf32> to vector<16xf32>
      tpu.vector_store %arg8[%swap3A_749], %swap3A_752 {strides = array<i32>} : memref<128xf32, #tpu.memory_space<vmem>>, vector<16xf32>,
      %get3A_753 = arith.constant 16 : index
      %get3A_754 = tpu.vector_load %arg8[%get3A_753] {strides = array<i32>} : memref<128xf32, #tpu.memory_space<vmem>>, vector<16xf32>,
      %get3A_755 = vector.shape_cast %get3A_754 : vector<16xf32> to vector<16xf32>
      %get3A_756 = arith.constant 16 : index
      %get3A_757 = tpu.vector_load %arg13[%get3A_756] {strides = array<i32>} : memref<128xf32, #tpu.memory_space<vmem>>, vector<16xf32>,
      %get3A_758 = vector.shape_cast %get3A_757 : vector<16xf32> to vector<16xf32>
      %add3A_759 = arith.addf %get3A_755, %get3A_758 : vector<16xf32>
      %swap3A_760 = arith.constant 16 : index
      %swap3A_761 = tpu.vector_load %arg8[%swap3A_760] {strides = array<i32>} : memref<128xf32, #tpu.memory_space<vmem>>, vector<16xf32>,
      %swap3A_762 = vector.shape_cast %swap3A_761 : vector<16xf32> to vector<16xf32>
      %swap3A_763 = vector.shape_cast %add3A_759 : vector<16xf32> to vector<16xf32>
      tpu.vector_store %arg8[%swap3A_760], %swap3A_763 {strides = array<i32>} : memref<128xf32, #tpu.memory_space<vmem>>, vector<16xf32>,
      %get3A_764 = arith.constant 32 : index
      %get3A_765 = tpu.vector_load %arg8[%get3A_764] {strides = array<i32>} : memref<128xf32, #tpu.memory_space<vmem>>, vector<16xf32>,
      %get3A_766 = vector.shape_cast %get3A_765 : vector<16xf32> to vector<16xf32>
      %get3A_767 = arith.constant 32 : index
      %get3A_768 = tpu.vector_load %arg13[%get3A_767] {strides = array<i32>} : memref<128xf32, #tpu.memory_space<vmem>>, vector<16xf32>,
      %get3A_769 = vector.shape_cast %get3A_768 : vector<16xf32> to vector<16xf32>
      %add3A_770 = arith.addf %get3A_766, %get3A_769 : vector<16xf32>
      %swap3A_771 = arith.constant 32 : index
      %swap3A_772 = tpu.vector_load %arg8[%swap3A_771] {strides = array<i32>} : memref<128xf32, #tpu.memory_space<vmem>>, vector<16xf32>,
      %swap3A_773 = vector.shape_cast %swap3A_772 : vector<16xf32> to vector<16xf32>
      %swap3A_774 = vector.shape_cast %add3A_770 : vector<16xf32> to vector<16xf32>
      tpu.vector_store %arg8[%swap3A_771], %swap3A_774 {strides = array<i32>} : memref<128xf32, #tpu.memory_space<vmem>>, vector<16xf32>,
      %get3A_775 = arith.constant 48 : index
      %get3A_776 = tpu.vector_load %arg8[%get3A_775] {strides = array<i32>} : memref<128xf32, #tpu.memory_space<vmem>>, vector<16xf32>,
      %get3A_777 = vector.shape_cast %get3A_776 : vector<16xf32> to vector<16xf32>
      %get3A_778 = arith.constant 48 : index
      %get3A_779 = tpu.vector_load %arg13[%get3A_778] {strides = array<i32>} : memref<128xf32, #tpu.memory_space<vmem>>, vector<16xf32>,
      %get3A_780 = vector.shape_cast %get3A_779 : vector<16xf32> to vector<16xf32>
      %add3A_781 = arith.addf %get3A_777, %get3A_780 : vector<16xf32>
      %swap3A_782 = arith.constant 48 : index
      %swap3A_783 = tpu.vector_load %arg8[%swap3A_782] {strides = array<i32>} : memref<128xf32, #tpu.memory_space<vmem>>, vector<16xf32>,
      %swap3A_784 = vector.shape_cast %swap3A_783 : vector<16xf32> to vector<16xf32>
      %swap3A_785 = vector.shape_cast %add3A_781 : vector<16xf32> to vector<16xf32>
      tpu.vector_store %arg8[%swap3A_782], %swap3A_785 {strides = array<i32>} : memref<128xf32, #tpu.memory_space<vmem>>, vector<16xf32>,
      %get3A_786 = arith.constant 64 : index
      %get3A_787 = tpu.vector_load %arg8[%get3A_786] {strides = array<i32>} : memref<128xf32, #tpu.memory_space<vmem>>, vector<16xf32>,
      %get3A_788 = vector.shape_cast %get3A_787 : vector<16xf32> to vector<16xf32>
      %get3A_789 = arith.constant 64 : index
      %get3A_790 = tpu.vector_load %arg13[%get3A_789] {strides = array<i32>} : memref<128xf32, #tpu.memory_space<vmem>>, vector<16xf32>,
      %get3A_791 = vector.shape_cast %get3A_790 : vector<16xf32> to vector<16xf32>
      %add3A_792 = arith.addf %get3A_788, %get3A_791 : vector<16xf32>
      %swap3A_793 = arith.constant 64 : index
      %swap3A_794 = tpu.vector_load %arg8[%swap3A_793] {strides = array<i32>} : memref<128xf32, #tpu.memory_space<vmem>>, vector<16xf32>,
      %swap3A_795 = vector.shape_cast %swap3A_794 : vector<16xf32> to vector<16xf32>
      %swap3A_796 = vector.shape_cast %add3A_792 : vector<16xf32> to vector<16xf32>
      tpu.vector_store %arg8[%swap3A_793], %swap3A_796 {strides = array<i32>} : memref<128xf32, #tpu.memory_space<vmem>>, vector<16xf32>,
      %get3A_797 = arith.constant 80 : index
      %get3A_798 = tpu.vector_load %arg8[%get3A_797] {strides = array<i32>} : memref<128xf32, #tpu.memory_space<vmem>>, vector<16xf32>,
      %get3A_799 = vector.shape_cast %get3A_798 : vector<16xf32> to vector<16xf32>
      %get3A_800 = arith.constant 80 : index
      %get3A_801 = tpu.vector_load %arg13[%get3A_800] {strides = array<i32>} : memref<128xf32, #tpu.memory_space<vmem>>, vector<16xf32>,
      %get3A_802 = vector.shape_cast %get3A_801 : vector<16xf32> to vector<16xf32>
      %add3A_803 = arith.addf %get3A_799, %get3A_802 : vector<16xf32>
      %swap3A_804 = arith.constant 80 : index
      %swap3A_805 = tpu.vector_load %arg8[%swap3A_804] {strides = array<i32>} : memref<128xf32, #tpu.memory_space<vmem>>, vector<16xf32>,
      %swap3A_806 = vector.shape_cast %swap3A_805 : vector<16xf32> to vector<16xf32>
      %swap3A_807 = vector.shape_cast %add3A_803 : vector<16xf32> to vector<16xf32>
      tpu.vector_store %arg8[%swap3A_804], %swap3A_807 {strides = array<i32>} : memref<128xf32, #tpu.memory_space<vmem>>, vector<16xf32>,
      %get3A_808 = arith.constant 96 : index
      %get3A_809 = tpu.vector_load %arg8[%get3A_808] {strides = array<i32>} : memref<128xf32, #tpu.memory_space<vmem>>, vector<16xf32>,
      %get3A_810 = vector.shape_cast %get3A_809 : vector<16xf32> to vector<16xf32>
      %get3A_811 = arith.constant 96 : index
      %get3A_812 = tpu.vector_load %arg13[%get3A_811] {strides = array<i32>} : memref<128xf32, #tpu.memory_space<vmem>>, vector<16xf32>,
      %get3A_813 = vector.shape_cast %get3A_812 : vector<16xf32> to vector<16xf32>
      %add3A_814 = arith.addf %get3A_810, %get3A_813 : vector<16xf32>
      %swap3A_815 = arith.constant 96 : index
      %swap3A_816 = tpu.vector_load %arg8[%swap3A_815] {strides = array<i32>} : memref<128xf32, #tpu.memory_space<vmem>>, vector<16xf32>,
      %swap3A_817 = vector.shape_cast %swap3A_816 : vector<16xf32> to vector<16xf32>
      %swap3A_818 = vector.shape_cast %add3A_814 : vector<16xf32> to vector<16xf32>
      tpu.vector_store %arg8[%swap3A_815], %swap3A_818 {strides = array<i32>} : memref<128xf32, #tpu.memory_space<vmem>>, vector<16xf32>,
      %get3A_819 = arith.constant 112 : index
      %get3A_820 = tpu.vector_load %arg8[%get3A_819] {strides = array<i32>} : memref<128xf32, #tpu.memory_space<vmem>>, vector<16xf32>,
      %get3A_821 = vector.shape_cast %get3A_820 : vector<16xf32> to vector<16xf32>
      %get3A_822 = arith.constant 112 : index
      %get3A_823 = tpu.vector_load %arg13[%get3A_822] {strides = array<i32>} : memref<128xf32, #tpu.memory_space<vmem>>, vector<16xf32>,
      %get3A_824 = vector.shape_cast %get3A_823 : vector<16xf32> to vector<16xf32>
      %add3A_825 = arith.addf %get3A_821, %get3A_824 : vector<16xf32>
      %swap3A_826 = arith.constant 112 : index
      %swap3A_827 = tpu.vector_load %arg8[%swap3A_826] {strides = array<i32>} : memref<128xf32, #tpu.memory_space<vmem>>, vector<16xf32>,
      %swap3A_828 = vector.shape_cast %swap3A_827 : vector<16xf32> to vector<16xf32>
      %swap3A_829 = vector.shape_cast %add3A_825 : vector<16xf32> to vector<16xf32>
      tpu.vector_store %arg8[%swap3A_826], %swap3A_829 {strides = array<i32>} : memref<128xf32, #tpu.memory_space<vmem>>, vector<16xf32>,
      %get3A_830 = arith.constant 0 : index
      %get3A_831 = tpu.vector_load %arg9[%get3A_830] {strides = array<i32>} : memref<128xf32, #tpu.memory_space<vmem>>, vector<16xf32>,
      %get3A_832 = vector.shape_cast %get3A_831 : vector<16xf32> to vector<16xf32>
      %get3A_833 = arith.constant 0 : index
      %get3A_834 = tpu.vector_load %arg17[%get3A_833] {strides = array<i32>} : memref<128xf32, #tpu.memory_space<vmem>>, vector<16xf32>,
      %get3A_835 = vector.shape_cast %get3A_834 : vector<16xf32> to vector<16xf32>
      %add3A_836 = arith.addf %get3A_832, %get3A_835 : vector<16xf32>
      %swap3A_837 = arith.constant 0 : index
      %swap3A_838 = tpu.vector_load %arg9[%swap3A_837] {strides = array<i32>} : memref<128xf32, #tpu.memory_space<vmem>>, vector<16xf32>,
      %swap3A_839 = vector.shape_cast %swap3A_838 : vector<16xf32> to vector<16xf32>
      %swap3A_840 = vector.shape_cast %add3A_836 : vector<16xf32> to vector<16xf32>
      tpu.vector_store %arg9[%swap3A_837], %swap3A_840 {strides = array<i32>} : memref<128xf32, #tpu.memory_space<vmem>>, vector<16xf32>,
      %get3A_841 = arith.constant 16 : index
      %get3A_842 = tpu.vector_load %arg9[%get3A_841] {strides = array<i32>} : memref<128xf32, #tpu.memory_space<vmem>>, vector<16xf32>,
      %get3A_843 = vector.shape_cast %get3A_842 : vector<16xf32> to vector<16xf32>
      %get3A_844 = arith.constant 16 : index
      %get3A_845 = tpu.vector_load %arg17[%get3A_844] {strides = array<i32>} : memref<128xf32, #tpu.memory_space<vmem>>, vector<16xf32>,
      %get3A_846 = vector.shape_cast %get3A_845 : vector<16xf32> to vector<16xf32>
      %add3A_847 = arith.addf %get3A_843, %get3A_846 : vector<16xf32>
      %swap3A_848 = arith.constant 16 : index
      %swap3A_849 = tpu.vector_load %arg9[%swap3A_848] {strides = array<i32>} : memref<128xf32, #tpu.memory_space<vmem>>, vector<16xf32>,
      %swap3A_850 = vector.shape_cast %swap3A_849 : vector<16xf32> to vector<16xf32>
      %swap3A_851 = vector.shape_cast %add3A_847 : vector<16xf32> to vector<16xf32>
      tpu.vector_store %arg9[%swap3A_848], %swap3A_851 {strides = array<i32>} : memref<128xf32, #tpu.memory_space<vmem>>, vector<16xf32>,
      %get3A_852 = arith.constant 32 : index
      %get3A_853 = tpu.vector_load %arg9[%get3A_852] {strides = array<i32>} : memref<128xf32, #tpu.memory_space<vmem>>, vector<16xf32>,
      %get3A_854 = vector.shape_cast %get3A_853 : vector<16xf32> to vector<16xf32>
      %get3A_855 = arith.constant 32 : index
      %get3A_856 = tpu.vector_load %arg17[%get3A_855] {strides = array<i32>} : memref<128xf32, #tpu.memory_space<vmem>>, vector<16xf32>,
      %get3A_857 = vector.shape_cast %get3A_856 : vector<16xf32> to vector<16xf32>
      %add3A_858 = arith.addf %get3A_854, %get3A_857 : vector<16xf32>
      %swap3A_859 = arith.constant 32 : index
      %swap3A_860 = tpu.vector_load %arg9[%swap3A_859] {strides = array<i32>} : memref<128xf32, #tpu.memory_space<vmem>>, vector<16xf32>,
      %swap3A_861 = vector.shape_cast %swap3A_860 : vector<16xf32> to vector<16xf32>
      %swap3A_862 = vector.shape_cast %add3A_858 : vector<16xf32> to vector<16xf32>
      tpu.vector_store %arg9[%swap3A_859], %swap3A_862 {strides = array<i32>} : memref<128xf32, #tpu.memory_space<vmem>>, vector<16xf32>,
      %get3A_863 = arith.constant 48 : index
      %get3A_864 = tpu.vector_load %arg9[%get3A_863] {strides = array<i32>} : memref<128xf32, #tpu.memory_space<vmem>>, vector<16xf32>,
      %get3A_865 = vector.shape_cast %get3A_864 : vector<16xf32> to vector<16xf32>
      %get3A_866 = arith.constant 48 : index
      %get3A_867 = tpu.vector_load %arg17[%get3A_866] {strides = array<i32>} : memref<128xf32, #tpu.memory_space<vmem>>, vector<16xf32>,
      %get3A_868 = vector.shape_cast %get3A_867 : vector<16xf32> to vector<16xf32>
      %add3A_869 = arith.addf %get3A_865, %get3A_868 : vector<16xf32>
      %swap3A_870 = arith.constant 48 : index
      %swap3A_871 = tpu.vector_load %arg9[%swap3A_870] {strides = array<i32>} : memref<128xf32, #tpu.memory_space<vmem>>, vector<16xf32>,
      %swap3A_872 = vector.shape_cast %swap3A_871 : vector<16xf32> to vector<16xf32>
      %swap3A_873 = vector.shape_cast %add3A_869 : vector<16xf32> to vector<16xf32>
      tpu.vector_store %arg9[%swap3A_870], %swap3A_873 {strides = array<i32>} : memref<128xf32, #tpu.memory_space<vmem>>, vector<16xf32>,
      %get3A_874 = arith.constant 64 : index
      %get3A_875 = tpu.vector_load %arg9[%get3A_874] {strides = array<i32>} : memref<128xf32, #tpu.memory_space<vmem>>, vector<16xf32>,
      %get3A_876 = vector.shape_cast %get3A_875 : vector<16xf32> to vector<16xf32>
      %get3A_877 = arith.constant 64 : index
      %get3A_878 = tpu.vector_load %arg17[%get3A_877] {strides = array<i32>} : memref<128xf32, #tpu.memory_space<vmem>>, vector<16xf32>,
      %get3A_879 = vector.shape_cast %get3A_878 : vector<16xf32> to vector<16xf32>
      %add3A_880 = arith.addf %get3A_876, %get3A_879 : vector<16xf32>
      %swap3A_881 = arith.constant 64 : index
      %swap3A_882 = tpu.vector_load %arg9[%swap3A_881] {strides = array<i32>} : memref<128xf32, #tpu.memory_space<vmem>>, vector<16xf32>,
      %swap3A_883 = vector.shape_cast %swap3A_882 : vector<16xf32> to vector<16xf32>
      %swap3A_884 = vector.shape_cast %add3A_880 : vector<16xf32> to vector<16xf32>
      tpu.vector_store %arg9[%swap3A_881], %swap3A_884 {strides = array<i32>} : memref<128xf32, #tpu.memory_space<vmem>>, vector<16xf32>,
      %get3A_885 = arith.constant 80 : index
      %get3A_886 = tpu.vector_load %arg9[%get3A_885] {strides = array<i32>} : memref<128xf32, #tpu.memory_space<vmem>>, vector<16xf32>,
      %get3A_887 = vector.shape_cast %get3A_886 : vector<16xf32> to vector<16xf32>
      %get3A_888 = arith.constant 80 : index
      %get3A_889 = tpu.vector_load %arg17[%get3A_888] {strides = array<i32>} : memref<128xf32, #tpu.memory_space<vmem>>, vector<16xf32>,
      %get3A_890 = vector.shape_cast %get3A_889 : vector<16xf32> to vector<16xf32>
      %add3A_891 = arith.addf %get3A_887, %get3A_890 : vector<16xf32>
      %swap3A_892 = arith.constant 80 : index
      %swap3A_893 = tpu.vector_load %arg9[%swap3A_892] {strides = array<i32>} : memref<128xf32, #tpu.memory_space<vmem>>, vector<16xf32>,
      %swap3A_894 = vector.shape_cast %swap3A_893 : vector<16xf32> to vector<16xf32>
      %swap3A_895 = vector.shape_cast %add3A_891 : vector<16xf32> to vector<16xf32>
      tpu.vector_store %arg9[%swap3A_892], %swap3A_895 {strides = array<i32>} : memref<128xf32, #tpu.memory_space<vmem>>, vector<16xf32>,
      %get3A_896 = arith.constant 96 : index
      %get3A_897 = tpu.vector_load %arg9[%get3A_896] {strides = array<i32>} : memref<128xf32, #tpu.memory_space<vmem>>, vector<16xf32>,
      %get3A_898 = vector.shape_cast %get3A_897 : vector<16xf32> to vector<16xf32>
      %get3A_899 = arith.constant 96 : index
      %get3A_900 = tpu.vector_load %arg17[%get3A_899] {strides = array<i32>} : memref<128xf32, #tpu.memory_space<vmem>>, vector<16xf32>,
      %get3A_901 = vector.shape_cast %get3A_900 : vector<16xf32> to vector<16xf32>
      %add3A_902 = arith.addf %get3A_898, %get3A_901 : vector<16xf32>
      %swap3A_903 = arith.constant 96 : index
      %swap3A_904 = tpu.vector_load %arg9[%swap3A_903] {strides = array<i32>} : memref<128xf32, #tpu.memory_space<vmem>>, vector<16xf32>,
      %swap3A_905 = vector.shape_cast %swap3A_904 : vector<16xf32> to vector<16xf32>
      %swap3A_906 = vector.shape_cast %add3A_902 : vector<16xf32> to vector<16xf32>
      tpu.vector_store %arg9[%swap3A_903], %swap3A_906 {strides = array<i32>} : memref<128xf32, #tpu.memory_space<vmem>>, vector<16xf32>,
      %get3A_907 = arith.constant 112 : index
      %get3A_908 = tpu.vector_load %arg9[%get3A_907] {strides = array<i32>} : memref<128xf32, #tpu.memory_space<vmem>>, vector<16xf32>,
      %get3A_909 = vector.shape_cast %get3A_908 : vector<16xf32> to vector<16xf32>
      %get3A_910 = arith.constant 112 : index
      %get3A_911 = tpu.vector_load %arg17[%get3A_910] {strides = array<i32>} : memref<128xf32, #tpu.memory_space<vmem>>, vector<16xf32>,
      %get3A_912 = vector.shape_cast %get3A_911 : vector<16xf32> to vector<16xf32>
      %add3A_913 = arith.addf %get3A_909, %get3A_912 : vector<16xf32>
      %swap3A_914 = arith.constant 112 : index
      %swap3A_915 = tpu.vector_load %arg9[%swap3A_914] {strides = array<i32>} : memref<128xf32, #tpu.memory_space<vmem>>, vector<16xf32>,
      %swap3A_916 = vector.shape_cast %swap3A_915 : vector<16xf32> to vector<16xf32>
      %swap3A_917 = vector.shape_cast %add3A_913 : vector<16xf32> to vector<16xf32>
      tpu.vector_store %arg9[%swap3A_914], %swap3A_917 {strides = array<i32>} : memref<128xf32, #tpu.memory_space<vmem>>, vector<16xf32>,
    }
    %scan3A_112 = arith.constant 50 : i32
    %mul3A_113 = arith.constant 128 : i32
    %mul3A_114 = arith.muli %add3A, %mul3A_113 : i32
    %run_scoped3A = arith.constant 0 : i32
    "tpu.region"() ({
      %run_scoped3A_118 = tpu.sem_alloc : memref<!tpu.dma_semaphore, #tpu.memory_space<semaphore_mem>>
      %dma_start3A_119 = tpu.memref_slice %arg6[%run_scoped3A, %mul3A_114] : memref<2x4096xf32, #tpu.memory_space<hbm>> -> memref<1x128xf32, #tpu.memory_space<hbm>>
      %dma_start3A_120 = tpu.memref_squeeze %dma_start3A_119 : memref<1x128xf32, #tpu.memory_space<hbm>> -> memref<128xf32, #tpu.memory_space<hbm>>
      %dma_start3A_121 = tpu.memref_slice %arg6[%run_scoped3A, %mul3A_114] : memref<2x4096xf32, #tpu.memory_space<hbm>> -> memref<1x128xf32, #tpu.memory_space<hbm>>
      %dma_start3A_122 = tpu.memref_squeeze %dma_start3A_121 : memref<1x128xf32, #tpu.memory_space<hbm>> -> memref<128xf32, #tpu.memory_space<hbm>>
      tpu.enqueue_dma source(%arg8 : memref<128xf32, #tpu.memory_space<vmem>>) target(%dma_start3A_122 : memref<128xf32, #tpu.memory_space<hbm>>) target_semaphore(%run_scoped3A_118 : memref<!tpu.dma_semaphore, #tpu.memory_space<semaphore_mem>>)
      %dma_wait3A = tpu.memref_slice %arg6[%run_scoped3A, %mul3A_114] : memref<2x4096xf32, #tpu.memory_space<hbm>> -> memref<1x128xf32, #tpu.memory_space<hbm>>
      %dma_wait3A_123 = tpu.memref_squeeze %dma_wait3A : memref<1x128xf32, #tpu.memory_space<hbm>> -> memref<128xf32, #tpu.memory_space<hbm>>
      %dma_wait3A_124 = tpu.memref_slice %arg6[%run_scoped3A, %mul3A_114] : memref<2x4096xf32, #tpu.memory_space<hbm>> -> memref<1x128xf32, #tpu.memory_space<hbm>>
      %dma_wait3A_125 = tpu.memref_squeeze %dma_wait3A_124 : memref<1x128xf32, #tpu.memory_space<hbm>> -> memref<128xf32, #tpu.memory_space<hbm>>
      tpu.wait_dma2 semaphore(%run_scoped3A_118 : memref<!tpu.dma_semaphore, #tpu.memory_space<semaphore_mem>>) src(%arg8 : memref<128xf32, #tpu.memory_space<vmem>>) dst(%dma_wait3A_125 : memref<128xf32, #tpu.memory_space<hbm>>)
      tpu.yield
    }) : () -> ()
    %mul3A_115 = arith.constant 128 : i32
    %mul3A_116 = arith.muli %add3A, %mul3A_115 : i32
    %run_scoped3A_117 = arith.constant 1 : i32
    "tpu.region"() ({
      %run_scoped3A_118 = tpu.sem_alloc : memref<!tpu.dma_semaphore, #tpu.memory_space<semaphore_mem>>
      %dma_start3A_119 = tpu.memref_slice %arg6[%run_scoped3A_117, %mul3A_116] : memref<2x4096xf32, #tpu.memory_space<hbm>> -> memref<1x128xf32, #tpu.memory_space<hbm>>
      %dma_start3A_120 = tpu.memref_squeeze %dma_start3A_119 : memref<1x128xf32, #tpu.memory_space<hbm>> -> memref<128xf32, #tpu.memory_space<hbm>>
      %dma_start3A_121 = tpu.memref_slice %arg6[%run_scoped3A_117, %mul3A_116] : memref<2x4096xf32, #tpu.memory_space<hbm>> -> memref<1x128xf32, #tpu.memory_space<hbm>>
      %dma_start3A_122 = tpu.memref_squeeze %dma_start3A_121 : memref<1x128xf32, #tpu.memory_space<hbm>> -> memref<128xf32, #tpu.memory_space<hbm>>
      tpu.enqueue_dma source(%arg9 : memref<128xf32, #tpu.memory_space<vmem>>) target(%dma_start3A_122 : memref<128xf32, #tpu.memory_space<hbm>>) target_semaphore(%run_scoped3A_118 : memref<!tpu.dma_semaphore, #tpu.memory_space<semaphore_mem>>)
      %dma_wait3A = tpu.memref_slice %arg6[%run_scoped3A_117, %mul3A_116] : memref<2x4096xf32, #tpu.memory_space<hbm>> -> memref<1x128xf32, #tpu.memory_space<hbm>>
      %dma_wait3A_123 = tpu.memref_squeeze %dma_wait3A : memref<1x128xf32, #tpu.memory_space<hbm>> -> memref<128xf32, #tpu.memory_space<hbm>>
      %dma_wait3A_124 = tpu.memref_slice %arg6[%run_scoped3A_117, %mul3A_116] : memref<2x4096xf32, #tpu.memory_space<hbm>> -> memref<1x128xf32, #tpu.memory_space<hbm>>
      %dma_wait3A_125 = tpu.memref_squeeze %dma_wait3A_124 : memref<1x128xf32, #tpu.memory_space<hbm>> -> memref<128xf32, #tpu.memory_space<hbm>>
      tpu.wait_dma2 semaphore(%run_scoped3A_118 : memref<!tpu.dma_semaphore, #tpu.memory_space<semaphore_mem>>) src(%arg9 : memref<128xf32, #tpu.memory_space<vmem>>) dst(%dma_wait3A_125 : memref<128xf32, #tpu.memory_space<hbm>>)
      tpu.yield
    }) : () -> ()
    return
  }
}

module attributes {stable_mosaic.version = 14 : i64} {
  func.func @_project_body(%arg0: i32, %arg1: memref<8x300xf32, #tpu.memory_space<vmem>>, %arg2: memref<300x8192xf32, #tpu.memory_space<vmem>>, %arg3: memref<8x8192xf32, #tpu.memory_space<vmem>>) attributes {dimension_semantics = [#tpu.dimension_semantics<arbitrary>], iteration_bounds = array<i64: 123>, scalar_prefetch = 0 : i64, scratch_operands = 0 : i64, tpu.core_type = #tpu.core_type<tc>, window_params = [{pipeline_mode = #tpu.pipeline_mode<synchronous>, transform_indices = @transform_0, window_bounds = array<i64: 8, 300>}, {transform_indices = @transform_1, window_bounds = array<i64: 300, 8192>}, {transform_indices = @transform_2, window_bounds = array<i64: 8, 8192>}]} {
    %get3A = arith.constant 0 : index
    %get3A_0 = arith.constant 0 : index
    %get3A_1 = vector.load %arg1[%get3A, %get3A_0] : memref<8x300xf32, #tpu.memory_space<vmem>>, vector<8x300xf32>
    %get3A_2 = arith.constant 0 : index
    %get3A_3 = arith.constant 0 : index
    %get3A_4 = vector.load %arg2[%get3A_2, %get3A_3] : memref<300x8192xf32, #tpu.memory_space<vmem>>, vector<300x8192xf32>
    %dot_general3A = arith.constant dense<0.000000e+00> : vector<8x8192xf32>
    %dot_general3A_5 = tpu.matmul %get3A_1, %get3A_4, %dot_general3A {dimension_numbers = #tpu.dot_dimension_numbers<[1], [0], [0], [1], [0, 0, 1, 1], [], []>, transpose_lhs_hint = false} : vector<8x300xf32>, vector<300x8192xf32>, vector<8x8192xf32> -> vector<8x8192xf32>
    %iota3A = tpu.iota {dimensions = array<i32: 1>} : vector<8x8192xi32>
    %mul3A = arith.constant 8192 : i32
    %mul3A_6 = arith.muli %arg0, %mul3A : i32
    %add3A = vector.broadcast %mul3A_6 : i32 to vector<8x8192xi32>
    %add3A_7 = arith.addi %iota3A, %add3A : vector<8x8192xi32>
    %eq3A = arith.constant 0 : i32
    %eq3A_8 = vector.broadcast %eq3A : i32 to vector<8x8192xi32>
    %eq3A_9 = arith.cmpi eq, %add3A_7, %eq3A_8 : vector<8x8192xi32>
    %jit3A = arith.constant 0.000000e+00 : f32
    %broadcast_in_dim3A = vector.broadcast %jit3A : f32 to vector<8x8192xf32>
    %select_n3A = arith.select %eq3A_9, %broadcast_in_dim3A, %dot_general3A_5 : vector<8x8192xi1>, vector<8x8192xf32>
    %swap3A = arith.constant 0 : index
    %swap3A_10 = arith.constant 0 : index
    %swap3A_11 = vector.load %arg3[%swap3A, %swap3A_10] : memref<8x8192xf32, #tpu.memory_space<vmem>>, vector<8x8192xf32>
    tpu.vector_store %arg3[%swap3A, %swap3A_10], %select_n3A {strides = array<i32>} : memref<8x8192xf32, #tpu.memory_space<vmem>>, vector<8x8192xf32>,
    return
  }
  func.func @transform_0(%arg0: i32) -> (i32, i32) {
    %c0_i32 = arith.constant 0 : i32
    %c0_i32_0 = arith.constant 0 : i32
    %c0_i32_1 = arith.constant 0 : i32
    return %c0_i32, %c0_i32_0 : i32, i32
  }
  func.func @transform_1(%arg0: i32) -> (i32, i32) {
    %c0_i32 = arith.constant 0 : i32
    %c0_i32_0 = arith.constant 0 : i32
    return %c0_i32, %arg0 : i32, i32
  }
  func.func @transform_2(%arg0: i32) -> (i32, i32) {
    %c0_i32 = arith.constant 0 : i32
    %c0_i32_0 = arith.constant 0 : i32
    return %c0_i32, %arg0 : i32, i32
  }
}

</mosaic_0001>

<sc_bundles>
// kernel: kernel.4.cloned.1.call-start
scs
__scs_entry_jumppad:
0x0: {  	(pc) =	sbr.rel $0x88, $3  }
0x1: {  	(tag) =	ssettag $0x0;
	lr =	simm.s32 $0x1  }
0x2: {  	[smem:$0x3F9D] =	sst lr;
	_ =	strace $0xD0000000  }
0x3: {  	_ = 	snop  }
0x4: {  	_ = 	snop  }
0x5: {  	_ = 	snop  }
0x6: {  	_ = 	snop  }
0x7: {  	_ = 	snop  }
__scs_overlays_trampoline_lowered:
0x8: {  	[smem:$0x3FAC] =	sst s0  }
0x9: {  	[smem:$0x3FAD] =	sst s1  }
0xa: {  	[smem:$0x3FAE] =	sst s2  }
0xb: {  	[smem:$0x3FAF] =	sst s3  }
0xc: {  	[smem:$0x3FB0] =	sst s4  }
0xd: {  	[smem:$0x3FB1] =	sst s5  }
0xe: {  	[smem:$0x3FB2] =	sst s6  }
0xf: {  	[smem:$0x3FB3] =	sst s7  }
0x10: {  	[smem:$0x3FB4] =	sst s8  }
0x11: {  	[smem:$0x3FB5] =	sst s9;
	s0 =	simm.s32 @!p0 $0x0  }
0x12: {  	s1 =	sld [smem:$0x3F9B];
	s0 =	simm.s32 @p0 $0x1  }
0x13: {  	[smem:$0x3FB6] =	sst s0;
	s0 =	simm.s32 @!p1 $0x0  }
0x14: {  	s2 =	sld [smem:$0x3F9A];
	s0 =	simm.s32 @p1 $0x1  }
0x15: {  	[smem:$0x3FB7] =	sst s0;
	s0 =	simm.s32 @!p2 $0x0  }
0x16: {  	s3 =	sld [smem:$0x3FDB];
	s0 =	simm.s32 @p2 $0x1  }
0x17: {  	s4 =	simm.s32 $0x1BF5;
	[smem:$0x3FB9] =	sst s0  }
0x18: {  	s0 =	sld [smem:$0x3F9C];
	_ =	swait.ge [sflag:s4], $0x0  }
0x19: {  	s7 =	sld [smem:$0x3F9D]  }
0x1a: {  	s8 =	sadd.s32 $0xFFFFE003, lr  }
0x1b: {  	s9 =	sadd.s32 $0xFFFFFEF7, lr;
	s5 =	simm.s32 $0xFFFFFFFF;
	p2 =	slt.u32 s8, $0xFFFFF086  }
0x1c: {  	p1 =	slt.u32 s9, $0xF7A;
	s5 =	simm.s32 @!p2 $0x0  }
0x1d: {  	s5 =	simm.s32 @p1 $0x1;
	p0 =	seq.s32 s7, s2  }
0x1e: {  	s7 =	smul.u32 @!p0 $0xF7A, s2;
	p2 =	seq.s32 @!p0 s5, $0x0  }
0x1f: {  	s9 =	smul.u32 $0xF7A, s1;
	s8 =	simm.s32 @!p0 $0x1BF5;
	p2 =	por !p2, p0  }
0x20: {  	[sflag:s8] =	ssyncset.s32 @!p0 $0xFFFFF086;
	s6 =	sadd.s32 @!p0 s3, s7;
	s7 =	simm.s32 @!p0 $0x108  }
0x21: {  	s3 =	sadd.s32 s3, s9;
	s6 =	sadd.s32 @!p0 $0x88, s6;
	s7 =	simm.s32 @p2 $0x1082  }
0x22: {  	[simem:s7], [sflag:s8] =	dma.local @!p0 [hbm:s6], $0xF7A  }
0x23: {  	s9 =	sor.u32 $0xD0000000, s2;
	s6 =	simm.s32 $0x108;
	_ =	swait.ge @!p0 [sflag:s8], $0x0  }
0x24: {  	s3 =	sadd.s32 $0x88, s3;
	s6 =	simm.s32 @!p1 $0x1082;
	[sflag:s4] =	ssyncset.s32 $0xFFFFF086  }
0x25: {  	[simem:s6], [sflag:s4] =	dma.local [hbm:s3], $0xF7A  }
0x26: {  	[smem:$0x3F9D] =	sst s1;
	(tag) =	ssettag s2;
	_ =	strace s9  }
0x27: {  	s1 =	sld [smem:$0x3FAD]  }
0x28: {  	s2 =	sld [smem:$0x3FAE]  }
0x29: {  	s4 =	sld [smem:$0x3FB0]  }
0x2a: {  	p0 =	seq.s32 s5, $0x0;
	s5 =	sld [smem:$0x3FB1]  }
0x2b: {  	s6 =	sld [smem:$0x3FB2]  }
0x2c: {  	s7 =	sld [smem:$0x3FB3]  }
0x2d: {  	s3 =	simm.s32 $0x108;
	s8 =	sld [smem:$0x3FB4]  }
0x2e: {  	s3 =	simm.s32 @!p0 $0x1082;
	s9 =	sld [smem:$0x3FB5]  }
0x2f: {  	lr =	sadd.s32 s0, s3;
	s0 =	sld [smem:$0x3FAC]  }
0x30: {  	s3 =	sld [smem:$0x3FAF]  }
0x31: {  	[smem:$0x3FB8] =	sst s10  }
0x32: {  	s10 =	sld [smem:$0x3FB6];
	_ =	sdelay $0x3  }
0x33: {  	p0 =	seq.s32 s10, $0x1;
	s10 =	sld [smem:$0x3FB8];
	_ =	sdelay $0x3  }
0x34: {  	[smem:$0x3FB8] =	sst s10  }
0x35: {  	s10 =	sld [smem:$0x3FB7];
	_ =	sdelay $0x3  }
0x36: {  	p1 =	seq.s32 s10, $0x1;
	s10 =	sld [smem:$0x3FB8];
	_ =	sdelay $0x3  }
0x37: {  	[smem:$0x3FB8] =	sst s10  }
0x38: {  	s10 =	sld [smem:$0x3FB9]  }
0x39: {  	_ = 	snop;
	(pc) =	sbr.ind lr, $3  }
0x3a: {  	_ = 	snop  }
0x3b: {  	_ = 	snop  }
0x3c: {  	p2 =	seq.s32 s10, $0x1;
	s10 =	sld [smem:$0x3FB8]  }
0x3d: {  	_ =	shalt  }
0x3e: {  	_ =	shalt  }
0x3f: {  	_ =	shalt  }
0x40: {  	_ =	shalt  }
0x41: {  	_ =	shalt  }
0x42: {  	_ =	shalt  }
0x43: {  	_ =	shalt  }
0x44: {  	_ =	shalt  }
0x45: {  	_ =	shalt  }
0x46: {  	_ =	shalt  }
0x47: {  	_ =	shalt  }
0x48: {  	_ =	shalt  }
0x49: {  	_ =	shalt  }
0x4a: {  	_ =	shalt  }
0x4b: {  	_ =	shalt  }
0x4c: {  	_ =	shalt  }
0x4d: {  	_ =	shalt  }
0x4e: {  	_ =	shalt  }
0x4f: {  	_ =	shalt  }
0x50: {  	_ =	shalt  }
0x51: {  	_ =	shalt  }
0x52: {  	_ =	shalt  }
0x53: {  	_ =	shalt  }
0x54: {  	_ =	shalt  }
0x55: {  	_ =	shalt  }
0x56: {  	_ =	shalt  }
0x57: {  	_ =	shalt  }
0x58: {  	_ =	shalt  }
0x59: {  	_ =	shalt  }
0x5a: {  	_ =	shalt  }
0x5b: {  	_ =	shalt  }
0x5c: {  	_ =	shalt  }
0x5d: {  	_ =	shalt  }
0x5e: {  	_ =	shalt  }
0x5f: {  	_ =	shalt  }
0x60: {  	_ =	shalt  }
0x61: {  	_ =	shalt  }
0x62: {  	_ =	shalt  }
0x63: {  	_ =	shalt  }
0x64: {  	_ =	shalt  }
0x65: {  	_ =	shalt  }
0x66: {  	_ =	shalt  }
0x67: {  	_ =	shalt  }
0x68: {  	_ =	shalt  }
0x69: {  	_ =	shalt  }
0x6a: {  	_ =	shalt  }
0x6b: {  	_ =	shalt  }
0x6c: {  	_ =	shalt  }
0x6d: {  	_ =	shalt  }
0x6e: {  	_ =	shalt  }
0x6f: {  	_ =	shalt  }
0x70: {  	_ =	shalt  }
0x71: {  	_ =	shalt  }
0x72: {  	_ =	shalt  }
0x73: {  	_ =	shalt  }
0x74: {  	_ =	shalt  }
0x75: {  	_ =	shalt  }
0x76: {  	_ =	shalt  }
0x77: {  	_ =	shalt  }
0x78: {  	_ =	shalt  }
0x79: {  	_ =	shalt  }
0x7a: {  	_ =	shalt  }
0x7b: {  	_ =	shalt  }
0x7c: {  	_ =	shalt  }
0x7d: {  	_ =	shalt  }
0x7e: {  	_ =	shalt  }
0x7f: {  	_ =	shalt  }
0x80: {  	_ =	shalt  }
0x81: {  	_ =	shalt  }
0x82: {  	_ =	shalt  }
0x83: {  	_ =	shalt  }
0x84: {  	_ =	shalt  }
0x85: {  	_ =	shalt  }
0x86: {  	_ =	shalt  }
0x87: {  	_ =	shalt  }
.Lfunc_end0:
.L_simem_size_0:
called_computation_lowered:
.L_overlay_start_0:
0x88: {  	s2 =	sld [smem:$0x3FD9]  }
0x89: {  	s3 =	sld [smem:$0x3FFE];
	_ =	sdelay $0x1  }
0x8a: {  	s1 =	srdreg.scid  }
0x8b: {  	s0 =	sand.u32 $0x1, s1  }
0x8c: {  	s17 =	sshll.u32 s0, $0xA;
	s2 =	sadd.s32 s3, s2  }
0x8d: {  	s2 =	sadd.s32 s2, s17  }
0x8e: {  	[smem:$0x3FC4] =	sst s2  }
0x8f: {  	_ = 	snop  }
0x90: {  	s2 =	sld [smem:$0x3FD0];
	(tm) =	ssettm $0x1  }
0x91: {  	s18 =	sld [smem:$0x3FFB];
	_ =	sdelay $0x3  }
0x92: {  	_ =	strace s18  }
0x93: {  	s3 =	sld [smem:$0x3FFC];
	_ =	sdelay $0x3  }
0x94: {  	_ =	strace s3  }
0x95: {  	s3 =	sld [smem:$0x3FFD];
	_ =	sdelay $0x3  }
0x96: {  	_ =	strace s3  }
0x97: {  	_ =	strace $0x8FFFFFFF  }
0x98: {  	s19 =	sld [smem:$0x3FDB];
	_ =	sdelay $0x1  }
0x99: {  	s4 =	simm.s32 $_scs_section_size  }
0x9a: {  	s5 =	simm.s32 $_size__tile_overlayer_lowered;
	s6 =	simm.s32 $_tile_overlayer_lowered  }
0x9b: {  	s22 =	simm.s32 $0x1BFF;
	s21 =	sshll.u32 s6, $0x1;
	s3 =	sadd.s32 s4, s19  }
0x9c: {  	s7 =	simm.s32 $0x0;
	s20 =	sshll.u32 s5, $0x1;
	s5 =	sadd.s32 s21, s3  }
0x9d: {  	[timem:s7], [sflag:s22] =	dma.local [hbm:s5], s20  }
0x9e: {  	_ =	swait.ge [sflag:s22], s20  }
0x9f: {  	s4 =	ssub.s32 $0x0, s20;
	[sflag:s22] =	ssyncset.done $0x0  }
0xa0: {  	[sflag:s22] =	ssyncadd.s32 s4;
	_ =	sdelay $0x1  }
0xa1: {  	s23 =	simm.s32 $0x1B8B  }
0xa2: {  	_ =	swait.ge [sflag:s23], $0x1  }
0xa3: {  	[sflag:s23] =	ssyncset.done $0x0  }
0xa4: {  	s25 =	simm.s32 $0x1B8E;
	s24 =	sld [smem:$0x3FFE];
	[sflag:s23] =	ssyncadd.s32 $0xFFFFFFFF  }
0xa5: {  	s26 =	simm.s32 $execute0_lowered;
	[smem:$0x3FD2] =	sst s25  }
0xa6: {  	s5 =	sshll.u32 s26, $0x1;
	_ =	strace $0x80000046;
	[dreg:$0x1] =	wrdreg $0xFFFFFFFF  }
0xa7: {  	s28 =	simm.s32 $_size_execute0_lowered;
	s3 =	sadd.s32 s3, s5;
	[dreg:$0x0] =	wrdreg $0x0  }
0xa8: {  	s5 =	sshll.u32 s28, $0x1;
	[dreg:$0x2] =	wrdreg s3  }
0xa9: {  	[dreg:$0x3] =	wrdreg s5  }
0xaa: {  	[dreg:$0x4] =	wrdreg $0xC0  }
0xab: {  	_ =	task [dreg:s7], $0x5FFFF  }
0xac: {  	[dreg:$0x1] =	wrdreg $0xFFFFFFFF  }
0xad: {  	[dreg:$0x0] =	wrdreg $0x60  }
0xae: {  	[dreg:$0x2] =	wrdreg s24  }
0xaf: {  	[dreg:$0x3] =	wrdreg s2  }
0xb0: {  	[dreg:$0x4] =	wrdreg $0x9  }
0xb1: {  	_ =	task.clear_ibuf [dreg:s7], $0x5FFFF;
	_ =	strace $0x90000046  }
0xb2: {  	s29 =	simm.s32 $0x9;
	_ =	strace $0x80000048  }
0xb3: {  	_ =	swait.ge [sflag:s29], $0x1  }
0xb4: {  	[sflag:s29] =	ssyncadd.s32 $0xFFFFFFFF  }
0xb5: {  	_ =	strace $0x90000048  }
0xb6: {  	_ =	sfence  }
0xb7: {  	s30 =	sld [smem:$0x0];
	_ =	sdelay $0x2  }
0xb8: {  	s31 =	sshll.u32 s1, $0xD;
	s1 =	sshrl.u32 s1, $0x2  }
0xb9: {  	s3 =	sand.u32 $0x4000, s31;
	s1 =	sadd.s32 s1, s30  }
0xba: {  	s0 =	sor.u32 s3, s0;
	s1 =	sshll.u32 s1, $0x11  }
0xbb: {  	s0 =	sor.u32 s1, s0  }
0xbc: {  	s0 =	sadd.s32 $0x8F2B, s0  }
0xbd: {  	[sflag:s0] =	ssyncadd.remote.s32 $0x1  }
0xbe: {  	_ =	sfence.sel $0xFFFF  }
0xbf: {  	[dreg:$0x0] =	wrdreg $0xFFFFFFFF;
	(pc) =	sbr.abs _section_cstart, $3  }
0xc0: {  	[dreg:$0x1] =	wrdreg $0xFFFFFFFF  }
0xc1: {  	_ =	task.clear_ibuf [dreg:s7], $0x2FFFF;
	_ =	strace $0x9FFFFFFF  }
0xc2: {  	(tm) =	ssettm $0x7FFFFFFF  }
0xc3: {  	_ =	shalt  }
tec
execute0_lowered:
.L_overlay_start_1:
0x0: {  	(tag) =	ssettag $0x1  }
0x1: {  	s0 =	rddreg [dreg:$0x0]  }
0x2: {  	s3 =	simm.s32 $0x0;
	s1 =	srdreg.scid;
	s2 =	stileid.u32  }
0x3: {  	s10 =	simm.s32 $0x9;
	s12 =	simm.s32 $0x80;
	s16 =	simm.s32 $0x6780  }
0x4: {  	s17 =	simm.s32 $0x100;
	s18 =	simm.s32 $0x6600;
	s19 =	simm.s32 $0x6800  }
0x5: {  	s20 =	simm.s32 $0x6680;
	s21 =	simm.s32 $0x6880;
	s22 =	simm.s32 $0x1  }
0x6: {  	s23 =	simm.s32 $0x5;
	s24 =	simm.s32 $0x2;
	s25 =	simm.s32 $0x6  }
0x7: {  	s26 =	simm.s32 $0x3;
	s28 =	simm.s32 $0x7;
	s29 =	simm.s32 $0x4  }
0x8: {  	s30 =	simm.s32 $0x8;
	s31 =	simm.s32 $0x6400;
	[smem:$0x7FF] =	sst s3  }
0x9: {  	s1 =	sand.u32 $0x1, s1;
	s2 =	sshll.u32 s2, $0x1;
	s4 =	sadd.s32 $0x112E00, s0  }
0xa: {  	s5 =	sadd.s32 $0xF4400, s0;
	s2 =	sor.u32 s1, s2;
	s1 =	ssub.s32 $0x2, s1  }
0xb: {  	s6 =	sshll.u32 s2, $0x4;
	s7 =	sshrl.u32 s1, $0x1;
	s2 =	smul.u32 $0xC80, s2  }
0xc: {  	_ =	strace $0x80000047;
	s8 =	sadd.s32 s6, s0;
	s1 =	ssub.s32 s1, s7  }
0xd: {  	s6 =	sadd.s32 s0, s2;
	s7 =	sadd.s32 $0x19000, s8;
	s8 =	sadd.s32 $0x19200, s8  }
0xe: {  	s9 =	smax.u32 s1, $0x1;
	s0 =	simm.s32 $0x6480;
	s2 =	simm.s32 $0x0  }
.LBB2_1:
0xf: {  	[tilespmem:s3], [sflag:$0x9] =	stream.linear.gather [hbm4b:s6+s3], $0x6400, $0x38;
	[tilespmem:$0x6920] =	vst v63  }
0x10: {  	_ =	swait.ge [sflag:s10], $0x6400  }
0x11: {  	[sflag:s10] =	ssyncset.done $0x0  }
0x12: {  	[sflag:s10] =	ssyncadd.s32 $0xFFFF9C00  }
0x13: {  	s11 =	simm.s32 $0x6900;
	s1 =	rddreg [dreg:$0x1]  }
0x14: {  	[tilespmem:s11], [sflag:$0x9] =	stream.linear.gather [hbm4b:s1+s3], $0x20, $0x38;
	[tilespmem:$0x6920] =	vst v63  }
0x15: {  	_ =	swait.ge [sflag:s10], $0x20  }
0x16: {  	[sflag:s10] =	ssyncset.done $0x0  }
0x17: {  	[sflag:s10] =	ssyncadd.s32 $0xFFFFFFE0  }
0x18: {  	v0 =	vld [tilespmem:$0x6900];
	_ =	sdelay $0x4  }
0x19: {  	[tilespmem:$0x6400] =	vst v0  }
0x1a: {  	[tilespmem:$0x6410] =	vst v0  }
0x1b: {  	[tilespmem:$0x6420] =	vst v0  }
0x1c: {  	v1 =	vld [tilespmem:$0x6910];
	[tilespmem:$0x6430] =	vst v0  }
0x1d: {  	[tilespmem:$0x6440] =	vst v0  }
0x1e: {  	[tilespmem:$0x6450] =	vst v0  }
0x1f: {  	[tilespmem:$0x6460] =	vst v0  }
0x20: {  	[tilespmem:$0x6470] =	vst v0  }
0x21: {  	[tilespmem:$0x6480] =	vst v1  }
0x22: {  	[tilespmem:$0x6490] =	vst v1  }
0x23: {  	[tilespmem:$0x64A0] =	vst v1  }
0x24: {  	[tilespmem:$0x64B0] =	vst v1  }
0x25: {  	[tilespmem:$0x64C0] =	vst v1  }
0x26: {  	[tilespmem:$0x64D0] =	vst v1  }
0x27: {  	[tilespmem:$0x64E0] =	vst v1  }
0x28: {  	s13 =	simm.s32 $0x6500;
	[tilespmem:$0x64F0] =	vst v1  }
0x29: {  	[tilespmem:s13], [sflag:$0x1] =	stream.indirect.gather [hbm4b:s4+s12], $0x1, s3, s12, $0xb8;
	[tilespmem:$0x6920] =	vst v63  }
0x2a: {  	s14 =	simm.s32 $0x6700  }
0x2b: {  	[tilespmem:s14], [sflag:$0x5] =	stream.indirect.gather [hbm4b:s5+s12], $0x1, s3, s12, $0xb8;
	[tilespmem:$0x6920] =	vst v63  }
0x2c: {  	s15 =	simm.s32 $0x6580  }
0x2d: {  	[tilespmem:s15], [sflag:$0x2] =	stream.indirect.gather [hbm4b:s4+s12], $0x1, s12, s12, $0xb8;
	[tilespmem:$0x6920] =	vst v63  }
0x2e: {  	_ = 	snop  }
0x2f: {  	[tilespmem:s16], [sflag:$0x6] =	stream.indirect.gather [hbm4b:s5+s12], $0x1, s12, s12, $0xb8;
	[tilespmem:$0x6920] =	vst v63  }
0x30: {  	_ = 	snop  }
0x31: {  	[tilespmem:s18], [sflag:$0x3] =	stream.indirect.gather [hbm4b:s4+s12], $0x1, s17, s12, $0xb8;
	[tilespmem:$0x6920] =	vst v63  }
0x32: {  	s1 =	simm.s32 $0x0  }
0x33: {  	[tilespmem:s19], [sflag:$0x7] =	stream.indirect.gather [hbm4b:s5+s12], $0x1, s17, s12, $0xb8;
	[tilespmem:$0x6920] =	vst v63  }
.LBB2_2:
0x34: {  	s11 =	sshra.s32 s1, $0x2  }
0x35: {  	s11 =	sadd.s32 $0x180, s11  }
0x36: {  	[tilespmem:s20], [sflag:$0x4] =	stream.indirect.gather [hbm4b:s4+s12], $0x1, s11, s12, $0xb8;
	[tilespmem:$0x6920] =	vst v63  }
0x37: {  	_ = 	snop  }
0x38: {  	[tilespmem:s21], [sflag:$0x8] =	stream.indirect.gather [hbm4b:s5+s12], $0x1, s11, s12, $0xb8;
	[tilespmem:$0x6920] =	vst v63  }
0x39: {  	_ =	swait.ge [sflag:s22], $0x80  }
0x3a: {  	[sflag:s22] =	ssyncset.done $0x0  }
0x3b: {  	[sflag:s22] =	ssyncadd.s32 $0xFFFFFF80  }
0x3c: {  	_ =	swait.ge [sflag:s23], $0x80  }
0x3d: {  	[sflag:s23] =	ssyncset.done $0x0  }
0x3e: {  	[sflag:s23] =	ssyncadd.s32 $0xFFFFFF80  }
0x3f: {  	v0 =	vld [tilespmem:$0x6400]  }
0x40: {  	v1 =	vld [tilespmem:$0x6500]  }
0x41: {  	v2 =	vld [tilespmem:$0x6410]  }
0x42: {  	v3 =	vld [tilespmem:$0x6510]  }
0x43: {  	v4 =	vld [tilespmem:$0x6420]  }
0x44: {  	v5 =	vld [tilespmem:$0x6520]  }
0x45: {  	v6 =	vld [tilespmem:$0x6430]  }
0x46: {  	v7 =	vld [tilespmem:$0x6530]  }
0x47: {  	v8 =	vld [tilespmem:$0x6440]  }
0x48: {  	v9 =	vld [tilespmem:$0x6540]  }
0x49: {  	v10 =	vld [tilespmem:$0x6450]  }
0x4a: {  	v11 =	vld [tilespmem:$0x6550]  }
0x4b: {  	v12 =	vld [tilespmem:$0x6460]  }
0x4c: {  	v13 =	vld [tilespmem:$0x6560]  }
0x4d: {  	v14 =	vld [tilespmem:$0x6470]  }
0x4e: {  	v15 =	vld [tilespmem:$0x6570]  }
0x4f: {  	v16 =	vld [tilespmem:$0x6480]  }
0x50: {  	v17 =	vld [tilespmem:$0x6700]  }
0x51: {  	v18 =	vld [tilespmem:$0x6490]  }
0x52: {  	v19 =	vld [tilespmem:$0x6710]  }
0x53: {  	v20 =	vld [tilespmem:$0x64A0]  }
0x54: {  	v25 =	vld [tilespmem:$0x6720];
	v0 =	vadd.f32 v1, v0  }
0x55: {  	v26 =	vld [tilespmem:$0x64B0];
	v2 =	vadd.f32 v3, v2  }
0x56: {  	v28 =	vld [tilespmem:$0x6730];
	v27 =	vadd.f32 v5, v4;
	[tilespmem:$0x6400] =	vst v0  }
0x57: {  	v30 =	vld [tilespmem:$0x64C0];
	v29 =	vadd.f32 v7, v6;
	[tilespmem:$0x6410] =	vst v2  }
0x58: {  	v32 =	vld [tilespmem:$0x6740];
	v31 =	vadd.f32 v9, v8;
	[tilespmem:$0x6420] =	vst v27  }
0x59: {  	v34 =	vld [tilespmem:$0x64D0];
	v33 =	vadd.f32 v11, v10;
	[tilespmem:$0x6430] =	vst v29  }
0x5a: {  	v36 =	vld [tilespmem:$0x6750];
	v35 =	vadd.f32 v13, v12;
	[tilespmem:$0x6440] =	vst v31  }
0x5b: {  	v38 =	vld [tilespmem:$0x64E0];
	v37 =	vadd.f32 v15, v14;
	[tilespmem:$0x6450] =	vst v33  }
0x5c: {  	v40 =	vld [tilespmem:$0x6760];
	v39 =	vadd.f32 v17, v16;
	[tilespmem:$0x6460] =	vst v35  }
0x5d: {  	v42 =	vld [tilespmem:$0x64F0];
	v41 =	vadd.f32 v19, v18;
	[tilespmem:$0x6470] =	vst v37  }
0x5e: {  	v44 =	vld [tilespmem:$0x6770];
	v43 =	vadd.f32 v25, v20;
	[tilespmem:$0x6480] =	vst v39  }
0x5f: {  	v45 =	vadd.f32 v28, v26;
	[tilespmem:$0x6490] =	vst v41  }
0x60: {  	v46 =	vadd.f32 v32, v30;
	[tilespmem:$0x64A0] =	vst v43  }
0x61: {  	v47 =	vadd.f32 v36, v34;
	[tilespmem:$0x64B0] =	vst v45  }
0x62: {  	v48 =	vadd.f32 v40, v38;
	[tilespmem:$0x64C0] =	vst v46  }
0x63: {  	p0 =	seq.s32 s1, $0x18800;
	v1 =	vadd.f32 v44, v42;
	[tilespmem:$0x64D0] =	vst v47  }
0x64: {  	s13 =	sshra.s32 @!p0 s1, $0x2;
	[tilespmem:$0x64E0] =	vst v48  }
0x65: {  	s15 =	simm.s32 @!p0 $0x6500;
	s14 =	sadd.s32 @!p0 $0x200, s13;
	s11 =	simm.s32 @!p0 $0x80;
	[tilespmem:$0x64F0] =	vst v1  }
0x66: {  	[tilespmem:s15], [sflag:$0x1] =	stream.indirect.gather @!p0 [hbm4b:s4+s11], $0x1, s14, s11, $0xb8;
	[tilespmem:$0x6920] =	vst v63  }
0x67: {  	s15 =	simm.s32 @!p0 $0x6700  }
0x68: {  	[tilespmem:s15], [sflag:$0x5] =	stream.indirect.gather @!p0 [hbm4b:s5+s11], $0x1, s14, s11, $0xb8;
	[tilespmem:$0x6920] =	vst v63  }
0x69: {  	_ =	swait.ge [sflag:s24], $0x80  }
0x6a: {  	[sflag:s24] =	ssyncset.done $0x0  }
0x6b: {  	[sflag:s24] =	ssyncadd.s32 $0xFFFFFF80  }
0x6c: {  	_ =	swait.ge [sflag:s25], $0x80  }
0x6d: {  	[sflag:s25] =	ssyncset.done $0x0  }
0x6e: {  	[sflag:s25] =	ssyncadd.s32 $0xFFFFFF80  }
0x6f: {  	v49 =	vld [tilespmem:$0x6400]  }
0x70: {  	v50 =	vld [tilespmem:$0x6580]  }
0x71: {  	v51 =	vld [tilespmem:$0x6410]  }
0x72: {  	v52 =	vld [tilespmem:$0x6590]  }
0x73: {  	v53 =	vld [tilespmem:$0x6420]  }
0x74: {  	v54 =	vld [tilespmem:$0x65A0]  }
0x75: {  	v55 =	vld [tilespmem:$0x6430]  }
0x76: {  	v56 =	vld [tilespmem:$0x65B0]  }
0x77: {  	v57 =	vld [tilespmem:$0x6440]  }
0x78: {  	v58 =	vld [tilespmem:$0x65C0]  }
0x79: {  	v59 =	vld [tilespmem:$0x6450]  }
0x7a: {  	v60 =	vld [tilespmem:$0x65D0]  }
0x7b: {  	v61 =	vld [tilespmem:$0x6460]  }
0x7c: {  	v62 =	vld [tilespmem:$0x65E0]  }
0x7d: {  	v63 =	vld [tilespmem:$0x6470]  }
0x7e: {  	v24 =	vld [tilespmem:$0x65F0]  }
0x7f: {  	v25 =	vld [tilespmem:$0x6480]  }
0x80: {  	v26 =	vld [tilespmem:$0x6780]  }
0x81: {  	v27 =	vld [tilespmem:$0x6490]  }
0x82: {  	v28 =	vld [tilespmem:$0x6790]  }
0x83: {  	v29 =	vld [tilespmem:$0x64A0]  }
0x84: {  	v30 =	vld [tilespmem:$0x67A0];
	v0 =	vadd.f32 v50, v49  }
0x85: {  	v31 =	vld [tilespmem:$0x64B0];
	v2 =	vadd.f32 v52, v51  }
0x86: {  	v33 =	vld [tilespmem:$0x67B0];
	v32 =	vadd.f32 v54, v53;
	[tilespmem:$0x6400] =	vst v0  }
0x87: {  	v35 =	vld [tilespmem:$0x64C0];
	v34 =	vadd.f32 v56, v55;
	[tilespmem:$0x6410] =	vst v2  }
0x88: {  	v37 =	vld [tilespmem:$0x67C0];
	v36 =	vadd.f32 v58, v57;
	[tilespmem:$0x6420] =	vst v32  }
0x89: {  	v39 =	vld [tilespmem:$0x64D0];
	v38 =	vadd.f32 v60, v59;
	[tilespmem:$0x6430] =	vst v34  }
0x8a: {  	v41 =	vld [tilespmem:$0x67D0];
	v40 =	vadd.f32 v62, v61;
	[tilespmem:$0x6440] =	vst v36  }
0x8b: {  	v43 =	vld [tilespmem:$0x64E0];
	v42 =	vadd.f32 v24, v63;
	[tilespmem:$0x6450] =	vst v38  }
0x8c: {  	v45 =	vld [tilespmem:$0x67E0];
	v44 =	vadd.f32 v26, v25;
	[tilespmem:$0x6460] =	vst v40  }
0x8d: {  	v47 =	vld [tilespmem:$0x64F0];
	v46 =	vadd.f32 v28, v27;
	[tilespmem:$0x6470] =	vst v42  }
0x8e: {  	v48 =	vadd.f32 v30, v29;
	v49 =	vld [tilespmem:$0x67F0];
	[tilespmem:$0x6480] =	vst v44  }
0x8f: {  	v50 =	vadd.f32 v33, v31;
	[tilespmem:$0x6490] =	vst v46  }
0x90: {  	v51 =	vadd.f32 v37, v35;
	[tilespmem:$0x64A0] =	vst v48  }
0x91: {  	v52 =	vadd.f32 v41, v39;
	[tilespmem:$0x64B0] =	vst v50  }
0x92: {  	v53 =	vadd.f32 v45, v43;
	[tilespmem:$0x64C0] =	vst v51  }
0x93: {  	[tilespmem:$0x64D0] =	vst v52;
	v1 =	vadd.f32 v49, v47  }
0x94: {  	[tilespmem:$0x64E0] =	vst v53  }
0x95: {  	s14 =	sadd.s32 @!p0 $0x280, s13;
	s15 =	simm.s32 @!p0 $0x6580;
	[tilespmem:$0x64F0] =	vst v1  }
0x96: {  	[tilespmem:s15], [sflag:$0x2] =	stream.indirect.gather @!p0 [hbm4b:s4+s11], $0x1, s14, s11, $0xb8;
	[tilespmem:$0x6920] =	vst v63  }
0x97: {  	s15 =	simm.s32 @!p0 $0x6780  }
0x98: {  	[tilespmem:s15], [sflag:$0x6] =	stream.indirect.gather @!p0 [hbm4b:s5+s11], $0x1, s14, s11, $0xb8;
	[tilespmem:$0x6920] =	vst v63  }
0x99: {  	_ =	swait.ge [sflag:s26], $0x80  }
0x9a: {  	[sflag:s26] =	ssyncset.done $0x0  }
0x9b: {  	[sflag:s26] =	ssyncadd.s32 $0xFFFFFF80  }
0x9c: {  	_ =	swait.ge [sflag:s28], $0x80  }
0x9d: {  	[sflag:s28] =	ssyncset.done $0x0  }
0x9e: {  	[sflag:s28] =	ssyncadd.s32 $0xFFFFFF80  }
0x9f: {  	v54 =	vld [tilespmem:$0x6400]  }
0xa0: {  	v55 =	vld [tilespmem:$0x6600]  }
0xa1: {  	v56 =	vld [tilespmem:$0x6410]  }
0xa2: {  	v57 =	vld [tilespmem:$0x6610]  }
0xa3: {  	v58 =	vld [tilespmem:$0x6420]  }
0xa4: {  	v59 =	vld [tilespmem:$0x6620]  }
0xa5: {  	v60 =	vld [tilespmem:$0x6430]  }
0xa6: {  	v61 =	vld [tilespmem:$0x6630]  }
0xa7: {  	v62 =	vld [tilespmem:$0x6440]  }
0xa8: {  	v63 =	vld [tilespmem:$0x6640]  }
0xa9: {  	v24 =	vld [tilespmem:$0x6450]  }
0xaa: {  	v25 =	vld [tilespmem:$0x6650]  }
0xab: {  	v26 =	vld [tilespmem:$0x6460]  }
0xac: {  	v27 =	vld [tilespmem:$0x6660]  }
0xad: {  	v28 =	vld [tilespmem:$0x6470]  }
0xae: {  	v29 =	vld [tilespmem:$0x6670]  }
0xaf: {  	v30 =	vld [tilespmem:$0x6480]  }
0xb0: {  	v31 =	vld [tilespmem:$0x6800]  }
0xb1: {  	v32 =	vld [tilespmem:$0x6490]  }
0xb2: {  	v33 =	vld [tilespmem:$0x6810]  }
0xb3: {  	v34 =	vld [tilespmem:$0x64A0]  }
0xb4: {  	v35 =	vld [tilespmem:$0x6820];
	v0 =	vadd.f32 v55, v54  }
0xb5: {  	v36 =	vld [tilespmem:$0x64B0];
	v2 =	vadd.f32 v57, v56  }
0xb6: {  	v38 =	vld [tilespmem:$0x6830];
	v37 =	vadd.f32 v59, v58;
	[tilespmem:$0x6400] =	vst v0  }
0xb7: {  	v40 =	vld [tilespmem:$0x64C0];
	v39 =	vadd.f32 v61, v60;
	[tilespmem:$0x6410] =	vst v2  }
0xb8: {  	v42 =	vld [tilespmem:$0x6840];
	v41 =	vadd.f32 v63, v62;
	[tilespmem:$0x6420] =	vst v37  }
0xb9: {  	v44 =	vld [tilespmem:$0x64D0];
	v43 =	vadd.f32 v25, v24;
	[tilespmem:$0x6430] =	vst v39  }
0xba: {  	v46 =	vld [tilespmem:$0x6850];
	v45 =	vadd.f32 v27, v26;
	[tilespmem:$0x6440] =	vst v41  }
0xbb: {  	v48 =	vld [tilespmem:$0x64E0];
	v47 =	vadd.f32 v29, v28;
	[tilespmem:$0x6450] =	vst v43  }
0xbc: {  	v50 =	vld [tilespmem:$0x6860];
	v49 =	vadd.f32 v31, v30;
	[tilespmem:$0x6460] =	vst v45  }
0xbd: {  	v52 =	vld [tilespmem:$0x64F0];
	v51 =	vadd.f32 v33, v32;
	[tilespmem:$0x6470] =	vst v47  }
0xbe: {  	v53 =	vadd.f32 v35, v34;
	v54 =	vld [tilespmem:$0x6870];
	[tilespmem:$0x6480] =	vst v49  }
0xbf: {  	v55 =	vadd.f32 v38, v36;
	[tilespmem:$0x6490] =	vst v51  }
0xc0: {  	v56 =	vadd.f32 v42, v40;
	[tilespmem:$0x64A0] =	vst v53  }
0xc1: {  	v57 =	vadd.f32 v46, v44;
	[tilespmem:$0x64B0] =	vst v55  }
0xc2: {  	v58 =	vadd.f32 v50, v48;
	[tilespmem:$0x64C0] =	vst v56  }
0xc3: {  	[tilespmem:$0x64D0] =	vst v57;
	v1 =	vadd.f32 v54, v52  }
0xc4: {  	[tilespmem:$0x64E0] =	vst v58  }
0xc5: {  	s13 =	sadd.s32 @!p0 $0x300, s13;
	s14 =	simm.s32 @!p0 $0x6600;
	[tilespmem:$0x64F0] =	vst v1  }
0xc6: {  	[tilespmem:s14], [sflag:$0x3] =	stream.indirect.gather @!p0 [hbm4b:s4+s11], $0x1, s13, s11, $0xb8;
	[tilespmem:$0x6920] =	vst v63  }
0xc7: {  	s14 =	simm.s32 @!p0 $0x6800  }
0xc8: {  	[tilespmem:s14], [sflag:$0x7] =	stream.indirect.gather @!p0 [hbm4b:s5+s11], $0x1, s13, s11, $0xb8;
	[tilespmem:$0x6920] =	vst v63  }
0xc9: {  	_ =	swait.ge [sflag:s29], $0x80  }
0xca: {  	[sflag:s29] =	ssyncset.done $0x0  }
0xcb: {  	[sflag:s29] =	ssyncadd.s32 $0xFFFFFF80  }
0xcc: {  	_ =	swait.ge [sflag:s30], $0x80  }
0xcd: {  	[sflag:s30] =	ssyncset.done $0x0  }
0xce: {  	[sflag:s30] =	ssyncadd.s32 $0xFFFFFF80  }
0xcf: {  	v59 =	vld [tilespmem:$0x6400]  }
0xd0: {  	v60 =	vld [tilespmem:$0x6680]  }
0xd1: {  	v61 =	vld [tilespmem:$0x6410]  }
0xd2: {  	v62 =	vld [tilespmem:$0x6690]  }
0xd3: {  	v63 =	vld [tilespmem:$0x6420]  }
0xd4: {  	v24 =	vld [tilespmem:$0x66A0]  }
0xd5: {  	v25 =	vld [tilespmem:$0x6430]  }
0xd6: {  	v26 =	vld [tilespmem:$0x66B0]  }
0xd7: {  	v27 =	vld [tilespmem:$0x6440]  }
0xd8: {  	v28 =	vld [tilespmem:$0x66C0]  }
0xd9: {  	v29 =	vld [tilespmem:$0x6450]  }
0xda: {  	v30 =	vld [tilespmem:$0x66D0]  }
0xdb: {  	v31 =	vld [tilespmem:$0x6460]  }
0xdc: {  	v32 =	vld [tilespmem:$0x66E0]  }
0xdd: {  	v33 =	vld [tilespmem:$0x6470]  }
0xde: {  	v34 =	vld [tilespmem:$0x66F0]  }
0xdf: {  	v35 =	vld [tilespmem:$0x6480]  }
0xe0: {  	v36 =	vld [tilespmem:$0x6880]  }
0xe1: {  	v37 =	vld [tilespmem:$0x6490]  }
0xe2: {  	v38 =	vld [tilespmem:$0x6890]  }
0xe3: {  	v39 =	vld [tilespmem:$0x64A0]  }
0xe4: {  	v40 =	vld [tilespmem:$0x68A0];
	v0 =	vadd.f32 v60, v59  }
0xe5: {  	v41 =	vld [tilespmem:$0x64B0];
	v2 =	vadd.f32 v62, v61  }
0xe6: {  	v43 =	vld [tilespmem:$0x68B0];
	v42 =	vadd.f32 v24, v63;
	[tilespmem:$0x6400] =	vst v0  }
0xe7: {  	v45 =	vld [tilespmem:$0x64C0];
	v44 =	vadd.f32 v26, v25;
	[tilespmem:$0x6410] =	vst v2  }
0xe8: {  	v47 =	vld [tilespmem:$0x68C0];
	v46 =	vadd.f32 v28, v27;
	[tilespmem:$0x6420] =	vst v42  }
0xe9: {  	v49 =	vld [tilespmem:$0x64D0];
	v48 =	vadd.f32 v30, v29;
	[tilespmem:$0x6430] =	vst v44  }
0xea: {  	v51 =	vld [tilespmem:$0x68D0];
	v50 =	vadd.f32 v32, v31;
	[tilespmem:$0x6440] =	vst v46  }
0xeb: {  	v53 =	vld [tilespmem:$0x64E0];
	v52 =	vadd.f32 v34, v33;
	[tilespmem:$0x6450] =	vst v48  }
0xec: {  	v55 =	vld [tilespmem:$0x68E0];
	v54 =	vadd.f32 v36, v35;
	[tilespmem:$0x6460] =	vst v50  }
0xed: {  	v57 =	vld [tilespmem:$0x64F0];
	v56 =	vadd.f32 v38, v37;
	[tilespmem:$0x6470] =	vst v52  }
0xee: {  	v58 =	vadd.f32 v40, v39;
	v59 =	vld [tilespmem:$0x68F0];
	[tilespmem:$0x6480] =	vst v54  }
0xef: {  	s1 =	sadd.s32 $0x800, s1;
	v60 =	vadd.f32 v43, v41;
	[tilespmem:$0x6490] =	vst v56  }
0xf0: {  	p0 =	sne.s32 s1, $0x19000;
	v61 =	vadd.f32 v47, v45;
	[tilespmem:$0x64A0] =	vst v58  }
.Ltmp0:
0xf1: {  	v62 =	vadd.f32 v51, v49;
	[tilespmem:$0x64B0] =	vst v60;
	(pc) =	sbr.rel @p0 .LBB2_2-.Ltmp0, $4  }
0xf2: {  	v63 =	vadd.f32 v55, v53;
	[tilespmem:$0x64C0] =	vst v61  }
0xf3: {  	[tilespmem:$0x64D0] =	vst v62;
	v1 =	vadd.f32 v59, v57  }
0xf4: {  	[tilespmem:$0x64E0] =	vst v63  }
0xf5: {  	[tilespmem:$0x64F0] =	vst v1  }
0xf6: {  	[hbm4b:s7+s3] =	stream.linear.scatter [tilespmem:s31], [sflag:$0x9], $0x80, $0x38;
	[tilespmem:$0x6920] =	vst v63  }
0xf7: {  	s2 =	sadd.s32 $0x1, s2;
	_ =	swait.ge [sflag:s10], $0x80  }
0xf8: {  	p0 =	sne.s32 s2, s9;
	[sflag:s10] =	ssyncset.done $0x0  }
.Ltmp1:
0xf9: {  	[sflag:s10] =	ssyncadd.s32 $0xFFFFFF80;
	(pc) =	sbr.rel @p0 .LBB2_1-.Ltmp1, $4  }
0xfa: {  	[hbm4b:s8+s3] =	stream.linear.scatter [tilespmem:s0], [sflag:$0x9], $0x80, $0x38;
	[tilespmem:$0x6920] =	vst v63  }
0xfb: {  	_ =	swait.ge [sflag:s10], $0x80  }
0xfc: {  	[sflag:s10] =	ssyncset.done $0x0  }
0xfd: {  	[sflag:s10] =	ssyncadd.s32 $0xFFFFFF80  }
0xfe: {  	_ =	sfence.sel $0x180000  }
0xff: {  	[bflag:$0x0] =	sbarrier.arrive $0xFFFF  }
0x100: {  	_ =	strace $0x90000047  }
0x101: {  	s0 =	stileid.u32;
	[bflag:$0x2] =	sbarrier.arrive $0xFFFF  }
0x102: {  	p0 =	sne.s32 s0, $0x0;
	s0 =	rddreg [dreg:$0x2]  }
0x103: {  	s0 =	sadd.s32 @!p0 $0x100000, s0  }
0x104: {  	[sflag:s0] =	ssyncadd.tile.s32 @!p0 $0x1;
	_ =	shalt  }
.Lfunc_end2:
_tile_overlayer_lowered:
.L_overlay_start_2:
0x105: {  	(tag) =	ssettag $0x2  }
0x106: {  	s0 =	rddreg [dreg:$0x0];
	s2 =	stileid.u32  }
0x107: {  	s1 =	rddreg [dreg:$0x1];
	p0 =	sne.s32 s2, $0x0  }
0x108: {  	s3 =	rddreg [dreg:$0x2];
	[bflag:$0x3] =	sbarrier.arrive $0xFFFF;
	s2 =	simm.s32 @!p0 $0x1C09  }
0x109: {  	[timem:s3], [sflag:s2] =	dma.local @!p0 [hbm:s0], s1  }
0x10a: {  	s0 =	simm.s32 @!p0 $0x9  }
0x10b: {  	_ =	swait.ge @!p0 [sflag:s0], s1  }
0x10c: {  	s1 =	ssub.s32 @!p0 $0x0, s1;
	[sflag:s0] =	ssyncset.done @!p0 $0x0  }
0x10d: {  	[sflag:s0] =	ssyncadd.s32 @!p0 s1  }
0x10e: {  	[bflag:$0x3] =	sbarrier.arrive $0xFFFF  }
0x10f: {  	_ =	shalt  }

</sc_bundles>
